<compile_context>
chip_gen: v7x
topology: tpu7x:2x2x1
jax: 0.10.2.dev20260603
libtpu: 0.0.44.dev20260713+nightly
codegen_flags: <defaults>
</compile_context>

<pallas_src>
import jax
import jax.numpy as jnp
from jax import lax
from jax.experimental import pallas as pl
from jax.experimental.pallas import tpu as pltpu
from jax.experimental.pallas import tpu_sc as plsc

NB = 8
LP = 1.0


def _recip_posint(xi):
    x = xi.astype(jnp.float32)
    e = jnp.int32(0)
    t = xi
    for k in (16, 8, 4, 2, 1):
        big = t >= (1 << k)
        e = e + jnp.where(big, k, 0)
        t = jnp.where(big, lax.shift_right_logical(t, k), t)
    r0 = jnp.float32(1.0)
    for k in (1, 2, 4, 8, 16):
        c = jnp.float32(2.0 ** -k)
        r0 = r0 * jnp.where((e & k) != 0, c, jnp.float32(1.0))
    r0 = r0 * jnp.float32(0.5)
    m = x * r0
    r = (jnp.float32(48.0 / 17.0) - jnp.float32(32.0 / 17.0) * m) * r0
    for _ in range(4):
        r = r * (jnp.float32(2.0) - x * r)
    return r


def _build(n_rows, row_len):
    mesh = plsc.ScalarSubcoreMesh(axis_name="c", num_cores=1)

    def body(sb_hbm, slp_hbm, ws_hbm, cl_hbm, len_hbm, hyp_hbm, items_hbm,
             sb_out_hbm, items_out_hbm, worst_out_hbm, len_out_hbm,
             s_sb, s_slp, s_ws, s_cl, s_lenin, s_sbo, s_wso, s_leno, sem):
        c1 = pltpu.async_copy(sb_hbm, s_sb, sem)
        c2 = pltpu.async_copy(slp_hbm, s_slp, sem)
        c3 = pltpu.async_copy(ws_hbm, s_ws, sem)
        c4 = pltpu.async_copy(cl_hbm, s_cl, sem)
        c5 = pltpu.async_copy(len_hbm, s_lenin, sem)
        c4.wait()
        recip = _recip_posint(s_cl[0])
        c2.wait()
        c3.wait()
        c5.wait()
        slp = s_slp[0]
        worst = s_ws[0]
        len_state = s_lenin[0]

        score = slp * recip
        cond = jnp.logical_or(len_state < NB, score > worst)
        new_len = len_state + jnp.where(cond, 1, 0).astype(jnp.int32)
        idx = jnp.where(new_len > NB + 1, 0, NB)
        c1.wait()

        keys = [jnp.where(jnp.int32(j) == idx, score, s_sb[j])
                for j in range(n_rows)]
        vals = [jnp.int32(j) for j in range(n_rows)]
        net = [(0, 3), (1, 7), (2, 5), (4, 8),
               (0, 7), (2, 4), (3, 8), (5, 6),
               (0, 2), (1, 3), (4, 5), (7, 8),
               (1, 4), (3, 6), (5, 7),
               (0, 1), (2, 4), (3, 5), (6, 8),
               (2, 3), (4, 5), (6, 7),
               (1, 2), (3, 4), (5, 6)]
        for a, b in net:
            ka, kb, va, vb = keys[a], keys[b], vals[a], vals[b]
            swap = jnp.logical_or(
                kb < ka, jnp.logical_and(kb == ka, vb < va))
            keys[a] = jnp.where(swap, kb, ka)
            keys[b] = jnp.where(swap, ka, kb)
            vals[a] = jnp.where(swap, vb, va)
            vals[b] = jnp.where(swap, va, vb)

        for j in range(n_rows):
            srcj = jnp.where(cond, vals[j], jnp.int32(j))
            use_hyp = jnp.logical_and(cond, vals[j] == idx)

            @pl.when(use_hyp)
            def _copy_hyp(j=j):
                pltpu.async_copy(
                    hyp_hbm, items_out_hbm.at[pl.ds(j, 1)], sem)

            @pl.when(jnp.logical_not(use_hyp))
            def _copy_row(j=j, srcj=srcj):
                pltpu.async_copy(
                    items_hbm.at[pl.ds(srcj, 1)],
                    items_out_hbm.at[pl.ds(j, 1)], sem)

        worst_new = jnp.where(new_len > NB, keys[1],
                              jnp.minimum(worst, score))
        for j in range(n_rows):
            s_sbo[j] = jnp.where(cond, keys[j], s_sb[j])
        s_wso[0] = jnp.where(cond, worst_new, worst)
        s_leno[0] = new_len
        pending = [
            pltpu.async_copy(s_sbo, sb_out_hbm, sem),
            pltpu.async_copy(s_wso, worst_out_hbm, sem),
            pltpu.async_copy(s_leno, len_out_hbm, sem),
        ]
        for j in range(n_rows):
            pltpu.make_async_copy(
                items_hbm.at[pl.ds(0, 1)],
                items_out_hbm.at[pl.ds(j, 1)], sem).wait()
        for h in pending:
            h.wait()

    return pl.kernel(
        body,
        mesh=mesh,
        compiler_params=pltpu.CompilerParams(needs_layout_passes=False),
        out_type=(
            jax.ShapeDtypeStruct((n_rows,), jnp.float32),
            jax.ShapeDtypeStruct((n_rows, row_len), jnp.int32),
            jax.ShapeDtypeStruct((1,), jnp.float32),
            jax.ShapeDtypeStruct((1,), jnp.int32),
        ),
        scratch_types=[
            pltpu.SMEM((9,), jnp.float32),
            pltpu.SMEM((1,), jnp.float32),
            pltpu.SMEM((1,), jnp.float32),
            pltpu.SMEM((1,), jnp.int32),
            pltpu.SMEM((1,), jnp.int32),
            pltpu.SMEM((9,), jnp.float32),
            pltpu.SMEM((1,), jnp.float32),
            pltpu.SMEM((1,), jnp.int32),
            pltpu.SemaphoreType.DMA,
        ],
    )


def kernel(hyp, sum_logprobs, cur_len, len_state, worst_score, scoreboard,
           scoreboard_items):
    n_rows, row_len = scoreboard_items.shape
    cl1 = jnp.asarray(cur_len, jnp.int32).reshape(1)
    len1 = jnp.asarray(len_state, jnp.int32).reshape(1)
    hyp2 = hyp.reshape(1, row_len)

    sb_out, items_out, worst_out, len_out = _build(n_rows, row_len)(
        scoreboard, sum_logprobs, worst_score, cl1, len1, hyp2,
        scoreboard_items)
    return (sb_out, items_out, worst_out, len_out.reshape(()))

# --- scband reference (transcript-rebuilt; emitter-appended) ---
"""Pipeline reference for scband-beam-hypotheses-module-22634477650193 (READ-ONLY COPY).

The authoritative reference and input builder live on the scoring server;
editing this copy changes nothing except your own understanding.
"""

import jax, jax.numpy as jnp
import numpy as np

NUM_BEAMS = 8
LENGTH_PENALTY = 1.0
MAX_GENERATE_LENGTH = 2048


def setup_inputs(seed: int = 0):
    key = jax.random.key(seed)
    k1, k2 = jax.random.split(key)
    hyp = jax.random.randint(k1, (MAX_GENERATE_LENGTH,), 0, 50000, dtype=jnp.int32)
    sum_logprobs = jax.random.normal(k2, (1,), dtype=jnp.float32) * 10.0 - 50.0
    cur_len = MAX_GENERATE_LENGTH
    # module buffers (state), initialized exactly as in the torch __init__
    len_state = jnp.array(0, dtype=jnp.int32)
    worst_score = jnp.full((1,), 1e9, dtype=jnp.float32)
    scoreboard = jnp.full((NUM_BEAMS + 1,), 1e9, dtype=jnp.float32)
    scoreboard_items = jnp.zeros((NUM_BEAMS + 1, MAX_GENERATE_LENGTH), dtype=jnp.int32)
    return {
        "hyp": hyp,
        "sum_logprobs": sum_logprobs,
        "cur_len": cur_len,
        "len_state": len_state,
        "worst_score": worst_score,
        "scoreboard": scoreboard,
        "scoreboard_items": scoreboard_items,
    }


def reference(hyp, sum_logprobs, cur_len, len_state, worst_score, scoreboard, scoreboard_items):
    # score = sum_logprobs / cur_len ** length_penalty
    score = (sum_logprobs / (cur_len ** LENGTH_PENALTY))[0]
    # outer predicated region: (len < num_beams) | (score > worst_score)
    cond = jnp.logical_or(len_state < NUM_BEAMS, score > worst_score[0])
    new_len = len_state + jnp.where(cond, 1, 0).astype(len_state.dtype)
    # choose write slot: index 0 if len > num_beams + 1 else last index
    c1 = new_len > NUM_BEAMS + 1
    idx = jnp.where(c1, 0, NUM_BEAMS)
    sb_w = scoreboard.at[idx].set(score)
    items_w = scoreboard_items.at[idx].set(hyp)
    # sort scoreboard ascending and permute items to match (torch.sort + index_select)
    perm = jnp.argsort(sb_w)
    sb_sorted = sb_w[perm]
    items_sorted = items_w[perm]
    # worst_score update
    c2 = new_len > NUM_BEAMS
    worst_new = jnp.where(c2, sb_sorted[1], jnp.minimum(worst_score[0], score))
    # gate all state writes on the outer predicate
    scoreboard_out = jnp.where(cond, sb_sorted, scoreboard)
    items_out = jnp.where(cond, items_sorted, scoreboard_items)
    worst_out = jnp.where(cond, worst_new, worst_score[0]).reshape(1)
    return (scoreboard_out, items_out, worst_out, new_len)

if __name__ == "__main__":
    import jax
    _d = setup_inputs()
    print(jax.jit(kernel)(*tuple(_d.values())))

</pallas_src>

<mosaic_0001>
#map = affine_map<(d0) -> (0)>
#map1 = affine_map<(d0) -> (0, 0)>
module attributes {stable_mosaic.version = 14 : i64} {
  func.func @body(%arg0: i32, %arg1: memref<9xf32, #tpu.memory_space<hbm>>, %arg2: memref<1xf32, #tpu.memory_space<hbm>>, %arg3: memref<1xf32, #tpu.memory_space<hbm>>, %arg4: memref<1xi32, #tpu.memory_space<hbm>>, %arg5: memref<1xi32, #tpu.memory_space<hbm>>, %arg6: memref<1x2048xi32, #tpu.memory_space<hbm>>, %arg7: memref<9x2048xi32, #tpu.memory_space<hbm>>, %arg8: memref<9xf32, #tpu.memory_space<hbm>>, %arg9: memref<9x2048xi32, #tpu.memory_space<hbm>>, %arg10: memref<1xf32, #tpu.memory_space<hbm>>, %arg11: memref<1xi32, #tpu.memory_space<hbm>>, %arg12: memref<9xf32, #tpu.memory_space<smem>>, %arg13: memref<1xf32, #tpu.memory_space<smem>>, %arg14: memref<1xf32, #tpu.memory_space<smem>>, %arg15: memref<1xi32, #tpu.memory_space<smem>>, %arg16: memref<1xi32, #tpu.memory_space<smem>>, %arg17: memref<9xf32, #tpu.memory_space<smem>>, %arg18: memref<1xf32, #tpu.memory_space<smem>>, %arg19: memref<1xi32, #tpu.memory_space<smem>>, %arg20: memref<!tpu.dma_semaphore, #tpu.memory_space<semaphore_mem>>) attributes {dimension_semantics = [#tpu.dimension_semantics<core_parallel>], iteration_bounds = array<i64: 1>, scalar_prefetch = 0 : i64, scratch_operands = 9 : i64, tpu.core_type = #tpu.core_type<sc_scalar_subcore>, window_params = [{transform_indices = #map}, {transform_indices = #map}, {transform_indices = #map}, {transform_indices = #map}, {transform_indices = #map}, {transform_indices = #map1}, {transform_indices = #map1}, {transform_indices = #map}, {transform_indices = #map1}, {transform_indices = #map}, {transform_indices = #map}]} {
    tpu.enqueue_dma source(%arg1 : memref<9xf32, #tpu.memory_space<hbm>>) target(%arg12 : memref<9xf32, #tpu.memory_space<smem>>) target_semaphore(%arg20 : memref<!tpu.dma_semaphore, #tpu.memory_space<semaphore_mem>>)
    tpu.enqueue_dma source(%arg2 : memref<1xf32, #tpu.memory_space<hbm>>) target(%arg13 : memref<1xf32, #tpu.memory_space<smem>>) target_semaphore(%arg20 : memref<!tpu.dma_semaphore, #tpu.memory_space<semaphore_mem>>)
    tpu.enqueue_dma source(%arg3 : memref<1xf32, #tpu.memory_space<hbm>>) target(%arg14 : memref<1xf32, #tpu.memory_space<smem>>) target_semaphore(%arg20 : memref<!tpu.dma_semaphore, #tpu.memory_space<semaphore_mem>>)
    tpu.enqueue_dma source(%arg4 : memref<1xi32, #tpu.memory_space<hbm>>) target(%arg15 : memref<1xi32, #tpu.memory_space<smem>>) target_semaphore(%arg20 : memref<!tpu.dma_semaphore, #tpu.memory_space<semaphore_mem>>)
    tpu.enqueue_dma source(%arg5 : memref<1xi32, #tpu.memory_space<hbm>>) target(%arg16 : memref<1xi32, #tpu.memory_space<smem>>) target_semaphore(%arg20 : memref<!tpu.dma_semaphore, #tpu.memory_space<semaphore_mem>>)
    tpu.wait_dma2 semaphore(%arg20 : memref<!tpu.dma_semaphore, #tpu.memory_space<semaphore_mem>>) src(%arg4 : memref<1xi32, #tpu.memory_space<hbm>>) dst(%arg15 : memref<1xi32, #tpu.memory_space<smem>>)
    %get3A = arith.constant 0 : i32
    %get3A_0 = arith.index_cast %get3A : i32 to index
    %get3A_1 = memref.load %arg15[%get3A_0] : memref<1xi32, #tpu.memory_space<smem>>
    %convert_element_type3A = arith.sitofp %get3A_1 : i32 to f32
    %ge3A = arith.constant 65536 : i32
    %ge3A_2 = arith.cmpi sge, %get3A_1, %ge3A : i32
    %jit3A = arith.constant 16 : i32
    %jit3A_3 = arith.constant 0 : i32
    %select_n3A = arith.select %ge3A_2, %jit3A, %jit3A_3 : i32
    %add3A = arith.constant 0 : i32
    %add3A_4 = arith.addi %add3A, %select_n3A : i32
    %shift_right_logical3A = arith.constant 16 : i32
    %shift_right_logical3A_5 = arith.shrui %get3A_1, %shift_right_logical3A : i32
    %select_n3A_6 = arith.select %ge3A_2, %shift_right_logical3A_5, %get3A_1 : i32
    %ge3A_7 = arith.constant 256 : i32
    %ge3A_8 = arith.cmpi sge, %select_n3A_6, %ge3A_7 : i32
    %jit3A_9 = arith.constant 8 : i32
    %jit3A_10 = arith.constant 0 : i32
    %select_n3A_11 = arith.select %ge3A_8, %jit3A_9, %jit3A_10 : i32
    %add3A_12 = arith.addi %add3A_4, %select_n3A_11 : i32
    %shift_right_logical3A_13 = arith.constant 8 : i32
    %shift_right_logical3A_14 = arith.shrui %select_n3A_6, %shift_right_logical3A_13 : i32
    %select_n3A_15 = arith.select %ge3A_8, %shift_right_logical3A_14, %select_n3A_6 : i32
    %ge3A_16 = arith.constant 16 : i32
    %ge3A_17 = arith.cmpi sge, %select_n3A_15, %ge3A_16 : i32
    %jit3A_18 = arith.constant 4 : i32
    %jit3A_19 = arith.constant 0 : i32
    %select_n3A_20 = arith.select %ge3A_17, %jit3A_18, %jit3A_19 : i32
    %add3A_21 = arith.addi %add3A_12, %select_n3A_20 : i32
    %shift_right_logical3A_22 = arith.constant 4 : i32
    %shift_right_logical3A_23 = arith.shrui %select_n3A_15, %shift_right_logical3A_22 : i32
    %select_n3A_24 = arith.select %ge3A_17, %shift_right_logical3A_23, %select_n3A_15 : i32
    %ge3A_25 = arith.constant 4 : i32
    %ge3A_26 = arith.cmpi sge, %select_n3A_24, %ge3A_25 : i32
    %jit3A_27 = arith.constant 2 : i32
    %jit3A_28 = arith.constant 0 : i32
    %select_n3A_29 = arith.select %ge3A_26, %jit3A_27, %jit3A_28 : i32
    %add3A_30 = arith.addi %add3A_21, %select_n3A_29 : i32
    %shift_right_logical3A_31 = arith.constant 2 : i32
    %shift_right_logical3A_32 = arith.shrui %select_n3A_24, %shift_right_logical3A_31 : i32
    %select_n3A_33 = arith.select %ge3A_26, %shift_right_logical3A_32, %select_n3A_24 : i32
    %ge3A_34 = arith.constant 2 : i32
    %ge3A_35 = arith.cmpi sge, %select_n3A_33, %ge3A_34 : i32
    %jit3A_36 = arith.constant 1 : i32
    %jit3A_37 = arith.constant 0 : i32
    %select_n3A_38 = arith.select %ge3A_35, %jit3A_36, %jit3A_37 : i32
    %add3A_39 = arith.addi %add3A_30, %select_n3A_38 : i32
    %shift_right_logical3A_40 = arith.constant 1 : i32
    %shift_right_logical3A_41 = arith.shrui %select_n3A_33, %shift_right_logical3A_40 : i32
    %select_n3A_42 = arith.select %ge3A_35, %shift_right_logical3A_41, %select_n3A_33 : i32
    %and3A = arith.constant 1 : i32
    %and3A_43 = arith.andi %add3A_39, %and3A : i32
    %ne3A = arith.constant 0 : i32
    %ne3A_44 = arith.cmpi ne, %and3A_43, %ne3A : i32
    %jit3A_45 = arith.constant 5.000000e-01 : f32
    %jit3A_46 = arith.constant 1.000000e+00 : f32
    %select_n3A_47 = arith.select %ne3A_44, %jit3A_45, %jit3A_46 : f32
    %mul3A = arith.constant 1.000000e+00 : f32
    %mul3A_48 = arith.mulf %mul3A, %select_n3A_47 : f32
    %and3A_49 = arith.constant 2 : i32
    %and3A_50 = arith.andi %add3A_39, %and3A_49 : i32
    %ne3A_51 = arith.constant 0 : i32
    %ne3A_52 = arith.cmpi ne, %and3A_50, %ne3A_51 : i32
    %jit3A_53 = arith.constant 2.500000e-01 : f32
    %jit3A_54 = arith.constant 1.000000e+00 : f32
    %select_n3A_55 = arith.select %ne3A_52, %jit3A_53, %jit3A_54 : f32
    %mul3A_56 = arith.mulf %mul3A_48, %select_n3A_55 : f32
    %and3A_57 = arith.constant 4 : i32
    %and3A_58 = arith.andi %add3A_39, %and3A_57 : i32
    %ne3A_59 = arith.constant 0 : i32
    %ne3A_60 = arith.cmpi ne, %and3A_58, %ne3A_59 : i32
    %jit3A_61 = arith.constant 6.250000e-02 : f32
    %jit3A_62 = arith.constant 1.000000e+00 : f32
    %select_n3A_63 = arith.select %ne3A_60, %jit3A_61, %jit3A_62 : f32
    %mul3A_64 = arith.mulf %mul3A_56, %select_n3A_63 : f32
    %and3A_65 = arith.constant 8 : i32
    %and3A_66 = arith.andi %add3A_39, %and3A_65 : i32
    %ne3A_67 = arith.constant 0 : i32
    %ne3A_68 = arith.cmpi ne, %and3A_66, %ne3A_67 : i32
    %jit3A_69 = arith.constant 3.906250e-03 : f32
    %jit3A_70 = arith.constant 1.000000e+00 : f32
    %select_n3A_71 = arith.select %ne3A_68, %jit3A_69, %jit3A_70 : f32
    %mul3A_72 = arith.mulf %mul3A_64, %select_n3A_71 : f32
    %and3A_73 = arith.constant 16 : i32
    %and3A_74 = arith.andi %add3A_39, %and3A_73 : i32
    %ne3A_75 = arith.constant 0 : i32
    %ne3A_76 = arith.cmpi ne, %and3A_74, %ne3A_75 : i32
    %jit3A_77 = arith.constant 1.52587891E-5 : f32
    %jit3A_78 = arith.constant 1.000000e+00 : f32
    %select_n3A_79 = arith.select %ne3A_76, %jit3A_77, %jit3A_78 : f32
    %mul3A_80 = arith.mulf %mul3A_72, %select_n3A_79 : f32
    %mul3A_81 = arith.constant 5.000000e-01 : f32
    %mul3A_82 = arith.mulf %mul3A_80, %mul3A_81 : f32
    %mul3A_83 = arith.mulf %convert_element_type3A, %mul3A_82 : f32
    %mul3A_84 = arith.constant 1.88235295 : f32
    %mul3A_85 = arith.mulf %mul3A_84, %mul3A_83 : f32
    %sub3A = arith.constant 2.82352948 : f32
    %sub3A_86 = arith.subf %sub3A, %mul3A_85 : f32
    %mul3A_87 = arith.mulf %sub3A_86, %mul3A_82 : f32
    %mul3A_88 = arith.mulf %convert_element_type3A, %mul3A_87 : f32
    %sub3A_89 = arith.constant 2.000000e+00 : f32
    %sub3A_90 = arith.subf %sub3A_89, %mul3A_88 : f32
    %mul3A_91 = arith.mulf %mul3A_87, %sub3A_90 : f32
    %mul3A_92 = arith.mulf %convert_element_type3A, %mul3A_91 : f32
    %sub3A_93 = arith.constant 2.000000e+00 : f32
    %sub3A_94 = arith.subf %sub3A_93, %mul3A_92 : f32
    %mul3A_95 = arith.mulf %mul3A_91, %sub3A_94 : f32
    %mul3A_96 = arith.mulf %convert_element_type3A, %mul3A_95 : f32
    %sub3A_97 = arith.constant 2.000000e+00 : f32
    %sub3A_98 = arith.subf %sub3A_97, %mul3A_96 : f32
    %mul3A_99 = arith.mulf %mul3A_95, %sub3A_98 : f32
    %mul3A_100 = arith.mulf %convert_element_type3A, %mul3A_99 : f32
    %sub3A_101 = arith.constant 2.000000e+00 : f32
    %sub3A_102 = arith.subf %sub3A_101, %mul3A_100 : f32
    %mul3A_103 = arith.mulf %mul3A_99, %sub3A_102 : f32
    tpu.wait_dma2 semaphore(%arg20 : memref<!tpu.dma_semaphore, #tpu.memory_space<semaphore_mem>>) src(%arg2 : memref<1xf32, #tpu.memory_space<hbm>>) dst(%arg13 : memref<1xf32, #tpu.memory_space<smem>>)
    tpu.wait_dma2 semaphore(%arg20 : memref<!tpu.dma_semaphore, #tpu.memory_space<semaphore_mem>>) src(%arg3 : memref<1xf32, #tpu.memory_space<hbm>>) dst(%arg14 : memref<1xf32, #tpu.memory_space<smem>>)
    tpu.wait_dma2 semaphore(%arg20 : memref<!tpu.dma_semaphore, #tpu.memory_space<semaphore_mem>>) src(%arg5 : memref<1xi32, #tpu.memory_space<hbm>>) dst(%arg16 : memref<1xi32, #tpu.memory_space<smem>>)
    %get3A_104 = arith.constant 0 : i32
    %get3A_105 = arith.index_cast %get3A_104 : i32 to index
    %get3A_106 = memref.load %arg13[%get3A_105] : memref<1xf32, #tpu.memory_space<smem>>
    %get3A_107 = arith.constant 0 : i32
    %get3A_108 = arith.index_cast %get3A_107 : i32 to index
    %get3A_109 = memref.load %arg14[%get3A_108] : memref<1xf32, #tpu.memory_space<smem>>
    %get3A_110 = arith.constant 0 : i32
    %get3A_111 = arith.index_cast %get3A_110 : i32 to index
    %get3A_112 = memref.load %arg16[%get3A_111] : memref<1xi32, #tpu.memory_space<smem>>
    %mul3A_113 = arith.mulf %get3A_106, %mul3A_103 : f32
    %lt3A = arith.constant 8 : i32
    %lt3A_114 = arith.cmpi slt, %get3A_112, %lt3A : i32
    %gt3A = arith.cmpf ogt, %mul3A_113, %get3A_109 : f32
    %or3A = arith.ori %lt3A_114, %gt3A : i1
    %jit3A_115 = arith.constant 1 : i32
    %jit3A_116 = arith.constant 0 : i32
    %select_n3A_117 = arith.select %or3A, %jit3A_115, %jit3A_116 : i32
    %add3A_118 = arith.addi %get3A_112, %select_n3A_117 : i32
    %gt3A_119 = arith.constant 9 : i32
    %gt3A_120 = arith.cmpi sgt, %add3A_118, %gt3A_119 : i32
    %jit3A_121 = arith.constant 0 : i32
    %jit3A_122 = arith.constant 8 : i32
    %select_n3A_123 = arith.select %gt3A_120, %jit3A_121, %jit3A_122 : i32
    tpu.wait_dma2 semaphore(%arg20 : memref<!tpu.dma_semaphore, #tpu.memory_space<semaphore_mem>>) src(%arg1 : memref<9xf32, #tpu.memory_space<hbm>>) dst(%arg12 : memref<9xf32, #tpu.memory_space<smem>>)
    %eq3A = arith.constant 0 : i32
    %eq3A_124 = arith.cmpi eq, %eq3A, %select_n3A_123 : i32
    %get3A_125 = arith.constant 0 : i32
    %get3A_126 = arith.index_cast %get3A_125 : i32 to index
    %get3A_127 = memref.load %arg12[%get3A_126] : memref<9xf32, #tpu.memory_space<smem>>
    %select_n3A_128 = arith.select %eq3A_124, %mul3A_113, %get3A_127 : f32
    %eq3A_129 = arith.constant 1 : i32
    %eq3A_130 = arith.cmpi eq, %eq3A_129, %select_n3A_123 : i32
    %get3A_131 = arith.constant 1 : i32
    %get3A_132 = arith.index_cast %get3A_131 : i32 to index
    %get3A_133 = memref.load %arg12[%get3A_132] : memref<9xf32, #tpu.memory_space<smem>>
    %select_n3A_134 = arith.select %eq3A_130, %mul3A_113, %get3A_133 : f32
    %eq3A_135 = arith.constant 2 : i32
    %eq3A_136 = arith.cmpi eq, %eq3A_135, %select_n3A_123 : i32
    %get3A_137 = arith.constant 2 : i32
    %get3A_138 = arith.index_cast %get3A_137 : i32 to index
    %get3A_139 = memref.load %arg12[%get3A_138] : memref<9xf32, #tpu.memory_space<smem>>
    %select_n3A_140 = arith.select %eq3A_136, %mul3A_113, %get3A_139 : f32
    %eq3A_141 = arith.constant 3 : i32
    %eq3A_142 = arith.cmpi eq, %eq3A_141, %select_n3A_123 : i32
    %get3A_143 = arith.constant 3 : i32
    %get3A_144 = arith.index_cast %get3A_143 : i32 to index
    %get3A_145 = memref.load %arg12[%get3A_144] : memref<9xf32, #tpu.memory_space<smem>>
    %select_n3A_146 = arith.select %eq3A_142, %mul3A_113, %get3A_145 : f32
    %eq3A_147 = arith.constant 4 : i32
    %eq3A_148 = arith.cmpi eq, %eq3A_147, %select_n3A_123 : i32
    %get3A_149 = arith.constant 4 : i32
    %get3A_150 = arith.index_cast %get3A_149 : i32 to index
    %get3A_151 = memref.load %arg12[%get3A_150] : memref<9xf32, #tpu.memory_space<smem>>
    %select_n3A_152 = arith.select %eq3A_148, %mul3A_113, %get3A_151 : f32
    %eq3A_153 = arith.constant 5 : i32
    %eq3A_154 = arith.cmpi eq, %eq3A_153, %select_n3A_123 : i32
    %get3A_155 = arith.constant 5 : i32
    %get3A_156 = arith.index_cast %get3A_155 : i32 to index
    %get3A_157 = memref.load %arg12[%get3A_156] : memref<9xf32, #tpu.memory_space<smem>>
    %select_n3A_158 = arith.select %eq3A_154, %mul3A_113, %get3A_157 : f32
    %eq3A_159 = arith.constant 6 : i32
    %eq3A_160 = arith.cmpi eq, %eq3A_159, %select_n3A_123 : i32
    %get3A_161 = arith.constant 6 : i32
    %get3A_162 = arith.index_cast %get3A_161 : i32 to index
    %get3A_163 = memref.load %arg12[%get3A_162] : memref<9xf32, #tpu.memory_space<smem>>
    %select_n3A_164 = arith.select %eq3A_160, %mul3A_113, %get3A_163 : f32
    %eq3A_165 = arith.constant 7 : i32
    %eq3A_166 = arith.cmpi eq, %eq3A_165, %select_n3A_123 : i32
    %get3A_167 = arith.constant 7 : i32
    %get3A_168 = arith.index_cast %get3A_167 : i32 to index
    %get3A_169 = memref.load %arg12[%get3A_168] : memref<9xf32, #tpu.memory_space<smem>>
    %select_n3A_170 = arith.select %eq3A_166, %mul3A_113, %get3A_169 : f32
    %eq3A_171 = arith.constant 8 : i32
    %eq3A_172 = arith.cmpi eq, %eq3A_171, %select_n3A_123 : i32
    %get3A_173 = arith.constant 8 : i32
    %get3A_174 = arith.index_cast %get3A_173 : i32 to index
    %get3A_175 = memref.load %arg12[%get3A_174] : memref<9xf32, #tpu.memory_space<smem>>
    %select_n3A_176 = arith.select %eq3A_172, %mul3A_113, %get3A_175 : f32
    %lt3A_177 = arith.cmpf olt, %select_n3A_146, %select_n3A_128 : f32
    %eq3A_178 = arith.cmpf oeq, %select_n3A_146, %select_n3A_128 : f32
    %lt3A_179 = arith.constant 3 : i32
    %lt3A_180 = arith.constant 0 : i32
    %lt3A_181 = arith.cmpi slt, %lt3A_179, %lt3A_180 : i32
    %and3A_182 = arith.andi %eq3A_178, %lt3A_181 : i1
    %or3A_183 = arith.ori %lt3A_177, %and3A_182 : i1
    %select_n3A_184 = arith.select %or3A_183, %select_n3A_146, %select_n3A_128 : f32
    %select_n3A_185 = arith.select %or3A_183, %select_n3A_128, %select_n3A_146 : f32
    %jit3A_186 = arith.constant 3 : i32
    %jit3A_187 = arith.constant 0 : i32
    %select_n3A_188 = arith.select %or3A_183, %jit3A_186, %jit3A_187 : i32
    %jit3A_189 = arith.constant 0 : i32
    %jit3A_190 = arith.constant 3 : i32
    %select_n3A_191 = arith.select %or3A_183, %jit3A_189, %jit3A_190 : i32
    %lt3A_192 = arith.cmpf olt, %select_n3A_170, %select_n3A_134 : f32
    %eq3A_193 = arith.cmpf oeq, %select_n3A_170, %select_n3A_134 : f32
    %lt3A_194 = arith.constant 7 : i32
    %lt3A_195 = arith.constant 1 : i32
    %lt3A_196 = arith.cmpi slt, %lt3A_194, %lt3A_195 : i32
    %and3A_197 = arith.andi %eq3A_193, %lt3A_196 : i1
    %or3A_198 = arith.ori %lt3A_192, %and3A_197 : i1
    %select_n3A_199 = arith.select %or3A_198, %select_n3A_170, %select_n3A_134 : f32
    %select_n3A_200 = arith.select %or3A_198, %select_n3A_134, %select_n3A_170 : f32
    %jit3A_201 = arith.constant 7 : i32
    %jit3A_202 = arith.constant 1 : i32
    %select_n3A_203 = arith.select %or3A_198, %jit3A_201, %jit3A_202 : i32
    %jit3A_204 = arith.constant 1 : i32
    %jit3A_205 = arith.constant 7 : i32
    %select_n3A_206 = arith.select %or3A_198, %jit3A_204, %jit3A_205 : i32
    %lt3A_207 = arith.cmpf olt, %select_n3A_158, %select_n3A_140 : f32
    %eq3A_208 = arith.cmpf oeq, %select_n3A_158, %select_n3A_140 : f32
    %lt3A_209 = arith.constant 5 : i32
    %lt3A_210 = arith.constant 2 : i32
    %lt3A_211 = arith.cmpi slt, %lt3A_209, %lt3A_210 : i32
    %and3A_212 = arith.andi %eq3A_208, %lt3A_211 : i1
    %or3A_213 = arith.ori %lt3A_207, %and3A_212 : i1
    %select_n3A_214 = arith.select %or3A_213, %select_n3A_158, %select_n3A_140 : f32
    %select_n3A_215 = arith.select %or3A_213, %select_n3A_140, %select_n3A_158 : f32
    %jit3A_216 = arith.constant 5 : i32
    %jit3A_217 = arith.constant 2 : i32
    %select_n3A_218 = arith.select %or3A_213, %jit3A_216, %jit3A_217 : i32
    %jit3A_219 = arith.constant 2 : i32
    %jit3A_220 = arith.constant 5 : i32
    %select_n3A_221 = arith.select %or3A_213, %jit3A_219, %jit3A_220 : i32
    %lt3A_222 = arith.cmpf olt, %select_n3A_176, %select_n3A_152 : f32
    %eq3A_223 = arith.cmpf oeq, %select_n3A_176, %select_n3A_152 : f32
    %lt3A_224 = arith.constant 8 : i32
    %lt3A_225 = arith.constant 4 : i32
    %lt3A_226 = arith.cmpi slt, %lt3A_224, %lt3A_225 : i32
    %and3A_227 = arith.andi %eq3A_223, %lt3A_226 : i1
    %or3A_228 = arith.ori %lt3A_222, %and3A_227 : i1
    %select_n3A_229 = arith.select %or3A_228, %select_n3A_176, %select_n3A_152 : f32
    %select_n3A_230 = arith.select %or3A_228, %select_n3A_152, %select_n3A_176 : f32
    %jit3A_231 = arith.constant 8 : i32
    %jit3A_232 = arith.constant 4 : i32
    %select_n3A_233 = arith.select %or3A_228, %jit3A_231, %jit3A_232 : i32
    %jit3A_234 = arith.constant 4 : i32
    %jit3A_235 = arith.constant 8 : i32
    %select_n3A_236 = arith.select %or3A_228, %jit3A_234, %jit3A_235 : i32
    %lt3A_237 = arith.cmpf olt, %select_n3A_200, %select_n3A_184 : f32
    %eq3A_238 = arith.cmpf oeq, %select_n3A_200, %select_n3A_184 : f32
    %lt3A_239 = arith.cmpi slt, %select_n3A_206, %select_n3A_188 : i32
    %and3A_240 = arith.andi %eq3A_238, %lt3A_239 : i1
    %or3A_241 = arith.ori %lt3A_237, %and3A_240 : i1
    %select_n3A_242 = arith.select %or3A_241, %select_n3A_200, %select_n3A_184 : f32
    %select_n3A_243 = arith.select %or3A_241, %select_n3A_184, %select_n3A_200 : f32
    %select_n3A_244 = arith.select %or3A_241, %select_n3A_206, %select_n3A_188 : i32
    %select_n3A_245 = arith.select %or3A_241, %select_n3A_188, %select_n3A_206 : i32
    %lt3A_246 = arith.cmpf olt, %select_n3A_229, %select_n3A_214 : f32
    %eq3A_247 = arith.cmpf oeq, %select_n3A_229, %select_n3A_214 : f32
    %lt3A_248 = arith.cmpi slt, %select_n3A_233, %select_n3A_218 : i32
    %and3A_249 = arith.andi %eq3A_247, %lt3A_248 : i1
    %or3A_250 = arith.ori %lt3A_246, %and3A_249 : i1
    %select_n3A_251 = arith.select %or3A_250, %select_n3A_229, %select_n3A_214 : f32
    %select_n3A_252 = arith.select %or3A_250, %select_n3A_214, %select_n3A_229 : f32
    %select_n3A_253 = arith.select %or3A_250, %select_n3A_233, %select_n3A_218 : i32
    %select_n3A_254 = arith.select %or3A_250, %select_n3A_218, %select_n3A_233 : i32
    %lt3A_255 = arith.cmpf olt, %select_n3A_230, %select_n3A_185 : f32
    %eq3A_256 = arith.cmpf oeq, %select_n3A_230, %select_n3A_185 : f32
    %lt3A_257 = arith.cmpi slt, %select_n3A_236, %select_n3A_191 : i32
    %and3A_258 = arith.andi %eq3A_256, %lt3A_257 : i1
    %or3A_259 = arith.ori %lt3A_255, %and3A_258 : i1
    %select_n3A_260 = arith.select %or3A_259, %select_n3A_230, %select_n3A_185 : f32
    %select_n3A_261 = arith.select %or3A_259, %select_n3A_185, %select_n3A_230 : f32
    %select_n3A_262 = arith.select %or3A_259, %select_n3A_236, %select_n3A_191 : i32
    %select_n3A_263 = arith.select %or3A_259, %select_n3A_191, %select_n3A_236 : i32
    %lt3A_264 = arith.cmpf olt, %select_n3A_164, %select_n3A_215 : f32
    %eq3A_265 = arith.cmpf oeq, %select_n3A_164, %select_n3A_215 : f32
    %lt3A_266 = arith.constant 6 : i32
    %lt3A_267 = arith.cmpi slt, %lt3A_266, %select_n3A_221 : i32
    %and3A_268 = arith.andi %eq3A_265, %lt3A_267 : i1
    %or3A_269 = arith.ori %lt3A_264, %and3A_268 : i1
    %select_n3A_270 = arith.select %or3A_269, %select_n3A_164, %select_n3A_215 : f32
    %select_n3A_271 = arith.select %or3A_269, %select_n3A_215, %select_n3A_164 : f32
    %jit3A_272 = arith.constant 6 : i32
    %select_n3A_273 = arith.select %or3A_269, %jit3A_272, %select_n3A_221 : i32
    %jit3A_274 = arith.constant 6 : i32
    %select_n3A_275 = arith.select %or3A_269, %select_n3A_221, %jit3A_274 : i32
    %lt3A_276 = arith.cmpf olt, %select_n3A_251, %select_n3A_242 : f32
    %eq3A_277 = arith.cmpf oeq, %select_n3A_251, %select_n3A_242 : f32
    %lt3A_278 = arith.cmpi slt, %select_n3A_253, %select_n3A_244 : i32
    %and3A_279 = arith.andi %eq3A_277, %lt3A_278 : i1
    %or3A_280 = arith.ori %lt3A_276, %and3A_279 : i1
    %select_n3A_281 = arith.select %or3A_280, %select_n3A_251, %select_n3A_242 : f32
    %select_n3A_282 = arith.select %or3A_280, %select_n3A_242, %select_n3A_251 : f32
    %select_n3A_283 = arith.select %or3A_280, %select_n3A_253, %select_n3A_244 : i32
    %select_n3A_284 = arith.select %or3A_280, %select_n3A_244, %select_n3A_253 : i32
    %lt3A_285 = arith.cmpf olt, %select_n3A_260, %select_n3A_199 : f32
    %eq3A_286 = arith.cmpf oeq, %select_n3A_260, %select_n3A_199 : f32
    %lt3A_287 = arith.cmpi slt, %select_n3A_262, %select_n3A_203 : i32
    %and3A_288 = arith.andi %eq3A_286, %lt3A_287 : i1
    %or3A_289 = arith.ori %lt3A_285, %and3A_288 : i1
    %select_n3A_290 = arith.select %or3A_289, %select_n3A_260, %select_n3A_199 : f32
    %select_n3A_291 = arith.select %or3A_289, %select_n3A_199, %select_n3A_260 : f32
    %select_n3A_292 = arith.select %or3A_289, %select_n3A_262, %select_n3A_203 : i32
    %select_n3A_293 = arith.select %or3A_289, %select_n3A_203, %select_n3A_262 : i32
    %lt3A_294 = arith.cmpf olt, %select_n3A_270, %select_n3A_252 : f32
    %eq3A_295 = arith.cmpf oeq, %select_n3A_270, %select_n3A_252 : f32
    %lt3A_296 = arith.cmpi slt, %select_n3A_273, %select_n3A_254 : i32
    %and3A_297 = arith.andi %eq3A_295, %lt3A_296 : i1
    %or3A_298 = arith.ori %lt3A_294, %and3A_297 : i1
    %select_n3A_299 = arith.select %or3A_298, %select_n3A_270, %select_n3A_252 : f32
    %select_n3A_300 = arith.select %or3A_298, %select_n3A_252, %select_n3A_270 : f32
    %select_n3A_301 = arith.select %or3A_298, %select_n3A_273, %select_n3A_254 : i32
    %select_n3A_302 = arith.select %or3A_298, %select_n3A_254, %select_n3A_273 : i32
    %lt3A_303 = arith.cmpf olt, %select_n3A_261, %select_n3A_243 : f32
    %eq3A_304 = arith.cmpf oeq, %select_n3A_261, %select_n3A_243 : f32
    %lt3A_305 = arith.cmpi slt, %select_n3A_263, %select_n3A_245 : i32
    %and3A_306 = arith.andi %eq3A_304, %lt3A_305 : i1
    %or3A_307 = arith.ori %lt3A_303, %and3A_306 : i1
    %select_n3A_308 = arith.select %or3A_307, %select_n3A_261, %select_n3A_243 : f32
    %select_n3A_309 = arith.select %or3A_307, %select_n3A_243, %select_n3A_261 : f32
    %select_n3A_310 = arith.select %or3A_307, %select_n3A_263, %select_n3A_245 : i32
    %select_n3A_311 = arith.select %or3A_307, %select_n3A_245, %select_n3A_263 : i32
    %lt3A_312 = arith.cmpf olt, %select_n3A_299, %select_n3A_290 : f32
    %eq3A_313 = arith.cmpf oeq, %select_n3A_299, %select_n3A_290 : f32
    %lt3A_314 = arith.cmpi slt, %select_n3A_301, %select_n3A_292 : i32
    %and3A_315 = arith.andi %eq3A_313, %lt3A_314 : i1
    %or3A_316 = arith.ori %lt3A_312, %and3A_315 : i1
    %select_n3A_317 = arith.select %or3A_316, %select_n3A_299, %select_n3A_290 : f32
    %select_n3A_318 = arith.select %or3A_316, %select_n3A_290, %select_n3A_299 : f32
    %select_n3A_319 = arith.select %or3A_316, %select_n3A_301, %select_n3A_292 : i32
    %select_n3A_320 = arith.select %or3A_316, %select_n3A_292, %select_n3A_301 : i32
    %lt3A_321 = arith.cmpf olt, %select_n3A_271, %select_n3A_291 : f32
    %eq3A_322 = arith.cmpf oeq, %select_n3A_271, %select_n3A_291 : f32
    %lt3A_323 = arith.cmpi slt, %select_n3A_275, %select_n3A_293 : i32
    %and3A_324 = arith.andi %eq3A_322, %lt3A_323 : i1
    %or3A_325 = arith.ori %lt3A_321, %and3A_324 : i1
    %select_n3A_326 = arith.select %or3A_325, %select_n3A_271, %select_n3A_291 : f32
    %select_n3A_327 = arith.select %or3A_325, %select_n3A_291, %select_n3A_271 : f32
    %select_n3A_328 = arith.select %or3A_325, %select_n3A_275, %select_n3A_293 : i32
    %select_n3A_329 = arith.select %or3A_325, %select_n3A_293, %select_n3A_275 : i32
    %lt3A_330 = arith.cmpf olt, %select_n3A_308, %select_n3A_300 : f32
    %eq3A_331 = arith.cmpf oeq, %select_n3A_308, %select_n3A_300 : f32
    %lt3A_332 = arith.cmpi slt, %select_n3A_310, %select_n3A_302 : i32
    %and3A_333 = arith.andi %eq3A_331, %lt3A_332 : i1
    %or3A_334 = arith.ori %lt3A_330, %and3A_333 : i1
    %select_n3A_335 = arith.select %or3A_334, %select_n3A_308, %select_n3A_300 : f32
    %select_n3A_336 = arith.select %or3A_334, %select_n3A_300, %select_n3A_308 : f32
    %select_n3A_337 = arith.select %or3A_334, %select_n3A_310, %select_n3A_302 : i32
    %select_n3A_338 = arith.select %or3A_334, %select_n3A_302, %select_n3A_310 : i32
    %lt3A_339 = arith.cmpf olt, %select_n3A_317, %select_n3A_281 : f32
    %eq3A_340 = arith.cmpf oeq, %select_n3A_317, %select_n3A_281 : f32
    %lt3A_341 = arith.cmpi slt, %select_n3A_319, %select_n3A_283 : i32
    %and3A_342 = arith.andi %eq3A_340, %lt3A_341 : i1
    %or3A_343 = arith.ori %lt3A_339, %and3A_342 : i1
    %select_n3A_344 = arith.select %or3A_343, %select_n3A_317, %select_n3A_281 : f32
    %select_n3A_345 = arith.select %or3A_343, %select_n3A_281, %select_n3A_317 : f32
    %select_n3A_346 = arith.select %or3A_343, %select_n3A_319, %select_n3A_283 : i32
    %select_n3A_347 = arith.select %or3A_343, %select_n3A_283, %select_n3A_319 : i32
    %lt3A_348 = arith.cmpf olt, %select_n3A_318, %select_n3A_282 : f32
    %eq3A_349 = arith.cmpf oeq, %select_n3A_318, %select_n3A_282 : f32
    %lt3A_350 = arith.cmpi slt, %select_n3A_320, %select_n3A_284 : i32
    %and3A_351 = arith.andi %eq3A_349, %lt3A_350 : i1
    %or3A_352 = arith.ori %lt3A_348, %and3A_351 : i1
    %select_n3A_353 = arith.select %or3A_352, %select_n3A_318, %select_n3A_282 : f32
    %select_n3A_354 = arith.select %or3A_352, %select_n3A_282, %select_n3A_318 : f32
    %select_n3A_355 = arith.select %or3A_352, %select_n3A_320, %select_n3A_284 : i32
    %select_n3A_356 = arith.select %or3A_352, %select_n3A_284, %select_n3A_320 : i32
    %lt3A_357 = arith.cmpf olt, %select_n3A_335, %select_n3A_326 : f32
    %eq3A_358 = arith.cmpf oeq, %select_n3A_335, %select_n3A_326 : f32
    %lt3A_359 = arith.cmpi slt, %select_n3A_337, %select_n3A_328 : i32
    %and3A_360 = arith.andi %eq3A_358, %lt3A_359 : i1
    %or3A_361 = arith.ori %lt3A_357, %and3A_360 : i1
    %select_n3A_362 = arith.select %or3A_361, %select_n3A_335, %select_n3A_326 : f32
    %select_n3A_363 = arith.select %or3A_361, %select_n3A_326, %select_n3A_335 : f32
    %select_n3A_364 = arith.select %or3A_361, %select_n3A_337, %select_n3A_328 : i32
    %select_n3A_365 = arith.select %or3A_361, %select_n3A_328, %select_n3A_337 : i32
    %lt3A_366 = arith.cmpf olt, %select_n3A_309, %select_n3A_327 : f32
    %eq3A_367 = arith.cmpf oeq, %select_n3A_309, %select_n3A_327 : f32
    %lt3A_368 = arith.cmpi slt, %select_n3A_311, %select_n3A_329 : i32
    %and3A_369 = arith.andi %eq3A_367, %lt3A_368 : i1
    %or3A_370 = arith.ori %lt3A_366, %and3A_369 : i1
    %select_n3A_371 = arith.select %or3A_370, %select_n3A_309, %select_n3A_327 : f32
    %select_n3A_372 = arith.select %or3A_370, %select_n3A_327, %select_n3A_309 : f32
    %select_n3A_373 = arith.select %or3A_370, %select_n3A_311, %select_n3A_329 : i32
    %select_n3A_374 = arith.select %or3A_370, %select_n3A_329, %select_n3A_311 : i32
    %lt3A_375 = arith.cmpf olt, %select_n3A_362, %select_n3A_353 : f32
    %eq3A_376 = arith.cmpf oeq, %select_n3A_362, %select_n3A_353 : f32
    %lt3A_377 = arith.cmpi slt, %select_n3A_364, %select_n3A_355 : i32
    %and3A_378 = arith.andi %eq3A_376, %lt3A_377 : i1
    %or3A_379 = arith.ori %lt3A_375, %and3A_378 : i1
    %select_n3A_380 = arith.select %or3A_379, %select_n3A_362, %select_n3A_353 : f32
    %select_n3A_381 = arith.select %or3A_379, %select_n3A_353, %select_n3A_362 : f32
    %select_n3A_382 = arith.select %or3A_379, %select_n3A_364, %select_n3A_355 : i32
    %select_n3A_383 = arith.select %or3A_379, %select_n3A_355, %select_n3A_364 : i32
    %lt3A_384 = arith.cmpf olt, %select_n3A_363, %select_n3A_354 : f32
    %eq3A_385 = arith.cmpf oeq, %select_n3A_363, %select_n3A_354 : f32
    %lt3A_386 = arith.cmpi slt, %select_n3A_365, %select_n3A_356 : i32
    %and3A_387 = arith.andi %eq3A_385, %lt3A_386 : i1
    %or3A_388 = arith.ori %lt3A_384, %and3A_387 : i1
    %select_n3A_389 = arith.select %or3A_388, %select_n3A_363, %select_n3A_354 : f32
    %select_n3A_390 = arith.select %or3A_388, %select_n3A_354, %select_n3A_363 : f32
    %select_n3A_391 = arith.select %or3A_388, %select_n3A_365, %select_n3A_356 : i32
    %select_n3A_392 = arith.select %or3A_388, %select_n3A_356, %select_n3A_365 : i32
    %lt3A_393 = arith.cmpf olt, %select_n3A_336, %select_n3A_371 : f32
    %eq3A_394 = arith.cmpf oeq, %select_n3A_336, %select_n3A_371 : f32
    %lt3A_395 = arith.cmpi slt, %select_n3A_338, %select_n3A_373 : i32
    %and3A_396 = arith.andi %eq3A_394, %lt3A_395 : i1
    %or3A_397 = arith.ori %lt3A_393, %and3A_396 : i1
    %select_n3A_398 = arith.select %or3A_397, %select_n3A_336, %select_n3A_371 : f32
    %select_n3A_399 = arith.select %or3A_397, %select_n3A_371, %select_n3A_336 : f32
    %select_n3A_400 = arith.select %or3A_397, %select_n3A_338, %select_n3A_373 : i32
    %select_n3A_401 = arith.select %or3A_397, %select_n3A_373, %select_n3A_338 : i32
    %lt3A_402 = arith.cmpf olt, %select_n3A_380, %select_n3A_345 : f32
    %eq3A_403 = arith.cmpf oeq, %select_n3A_380, %select_n3A_345 : f32
    %lt3A_404 = arith.cmpi slt, %select_n3A_382, %select_n3A_347 : i32
    %and3A_405 = arith.andi %eq3A_403, %lt3A_404 : i1
    %or3A_406 = arith.ori %lt3A_402, %and3A_405 : i1
    %select_n3A_407 = arith.select %or3A_406, %select_n3A_380, %select_n3A_345 : f32
    %select_n3A_408 = arith.select %or3A_406, %select_n3A_345, %select_n3A_380 : f32
    %select_n3A_409 = arith.select %or3A_406, %select_n3A_382, %select_n3A_347 : i32
    %select_n3A_410 = arith.select %or3A_406, %select_n3A_347, %select_n3A_382 : i32
    %lt3A_411 = arith.cmpf olt, %select_n3A_389, %select_n3A_381 : f32
    %eq3A_412 = arith.cmpf oeq, %select_n3A_389, %select_n3A_381 : f32
    %lt3A_413 = arith.cmpi slt, %select_n3A_391, %select_n3A_383 : i32
    %and3A_414 = arith.andi %eq3A_412, %lt3A_413 : i1
    %or3A_415 = arith.ori %lt3A_411, %and3A_414 : i1
    %select_n3A_416 = arith.select %or3A_415, %select_n3A_389, %select_n3A_381 : f32
    %select_n3A_417 = arith.select %or3A_415, %select_n3A_381, %select_n3A_389 : f32
    %select_n3A_418 = arith.select %or3A_415, %select_n3A_391, %select_n3A_383 : i32
    %select_n3A_419 = arith.select %or3A_415, %select_n3A_383, %select_n3A_391 : i32
    %lt3A_420 = arith.cmpf olt, %select_n3A_398, %select_n3A_390 : f32
    %eq3A_421 = arith.cmpf oeq, %select_n3A_398, %select_n3A_390 : f32
    %lt3A_422 = arith.cmpi slt, %select_n3A_400, %select_n3A_392 : i32
    %and3A_423 = arith.andi %eq3A_421, %lt3A_422 : i1
    %or3A_424 = arith.ori %lt3A_420, %and3A_423 : i1
    %select_n3A_425 = arith.select %or3A_424, %select_n3A_398, %select_n3A_390 : f32
    %select_n3A_426 = arith.select %or3A_424, %select_n3A_390, %select_n3A_398 : f32
    %select_n3A_427 = arith.select %or3A_424, %select_n3A_400, %select_n3A_392 : i32
    %select_n3A_428 = arith.select %or3A_424, %select_n3A_392, %select_n3A_400 : i32
    %jit3A_429 = arith.constant 0 : i32
    %select_n3A_430 = arith.select %or3A, %select_n3A_346, %jit3A_429 : i32
    %eq3A_431 = arith.cmpi eq, %select_n3A_346, %select_n3A_123 : i32
    %and3A_432 = arith.andi %or3A, %eq3A_431 : i1
    %convert_element_type3A_433 = arith.extui %and3A_432 : i1 to i32
    %cond3A = arith.constant 0 : i32
    %cond3A_434 = arith.cmpi ne, %convert_element_type3A_433, %cond3A : i32
    scf.if %cond3A_434 {
      %dma_start3A = arith.constant 0 : i32
      %dma_start3A_660 = arith.constant 0 : i32
      %dma_start3A_661 = tpu.memref_slice %arg9[%dma_start3A, %dma_start3A_660] : memref<9x2048xi32, #tpu.memory_space<hbm>> -> memref<1x2048xi32, #tpu.memory_space<hbm>>
      tpu.enqueue_dma source(%arg6 : memref<1x2048xi32, #tpu.memory_space<hbm>>) target(%dma_start3A_661 : memref<1x2048xi32, #tpu.memory_space<hbm>>) target_semaphore(%arg20 : memref<!tpu.dma_semaphore, #tpu.memory_space<semaphore_mem>>)
    } else {
    }
    %not3A = arith.constant true
    %not3A_435 = arith.xori %and3A_432, %not3A : i1
    %convert_element_type3A_436 = arith.extui %not3A_435 : i1 to i32
    %cond3A_437 = arith.constant 0 : i32
    %cond3A_438 = arith.cmpi ne, %convert_element_type3A_436, %cond3A_437 : i32
    scf.if %cond3A_438 {
      %dma_start3A = arith.constant 0 : i32
      %dma_start3A_660 = arith.constant 0 : i32
      %dma_start3A_661 = tpu.memref_slice %arg9[%dma_start3A, %dma_start3A_660] : memref<9x2048xi32, #tpu.memory_space<hbm>> -> memref<1x2048xi32, #tpu.memory_space<hbm>>
      %dma_start3A_662 = arith.constant 0 : i32
      %dma_start3A_663 = tpu.memref_slice %arg7[%select_n3A_430, %dma_start3A_662] : memref<9x2048xi32, #tpu.memory_space<hbm>> -> memref<1x2048xi32, #tpu.memory_space<hbm>>
      tpu.enqueue_dma source(%dma_start3A_663 : memref<1x2048xi32, #tpu.memory_space<hbm>>) target(%dma_start3A_661 : memref<1x2048xi32, #tpu.memory_space<hbm>>) target_semaphore(%arg20 : memref<!tpu.dma_semaphore, #tpu.memory_space<semaphore_mem>>)
    } else {
    }
    %jit3A_439 = arith.constant 1 : i32
    %select_n3A_440 = arith.select %or3A, %select_n3A_409, %jit3A_439 : i32
    %eq3A_441 = arith.cmpi eq, %select_n3A_409, %select_n3A_123 : i32
    %and3A_442 = arith.andi %or3A, %eq3A_441 : i1
    %convert_element_type3A_443 = arith.extui %and3A_442 : i1 to i32
    %cond3A_444 = arith.constant 0 : i32
    %cond3A_445 = arith.cmpi ne, %convert_element_type3A_443, %cond3A_444 : i32
    scf.if %cond3A_445 {
      %dma_start3A = arith.constant 1 : i32
      %dma_start3A_660 = arith.constant 0 : i32
      %dma_start3A_661 = tpu.memref_slice %arg9[%dma_start3A, %dma_start3A_660] : memref<9x2048xi32, #tpu.memory_space<hbm>> -> memref<1x2048xi32, #tpu.memory_space<hbm>>
      tpu.enqueue_dma source(%arg6 : memref<1x2048xi32, #tpu.memory_space<hbm>>) target(%dma_start3A_661 : memref<1x2048xi32, #tpu.memory_space<hbm>>) target_semaphore(%arg20 : memref<!tpu.dma_semaphore, #tpu.memory_space<semaphore_mem>>)
    } else {
    }
    %not3A_446 = arith.constant true
    %not3A_447 = arith.xori %and3A_442, %not3A_446 : i1
    %convert_element_type3A_448 = arith.extui %not3A_447 : i1 to i32
    %cond3A_449 = arith.constant 0 : i32
    %cond3A_450 = arith.cmpi ne, %convert_element_type3A_448, %cond3A_449 : i32
    scf.if %cond3A_450 {
      %dma_start3A = arith.constant 1 : i32
      %dma_start3A_660 = arith.constant 0 : i32
      %dma_start3A_661 = tpu.memref_slice %arg9[%dma_start3A, %dma_start3A_660] : memref<9x2048xi32, #tpu.memory_space<hbm>> -> memref<1x2048xi32, #tpu.memory_space<hbm>>
      %dma_start3A_662 = arith.constant 0 : i32
      %dma_start3A_663 = tpu.memref_slice %arg7[%select_n3A_440, %dma_start3A_662] : memref<9x2048xi32, #tpu.memory_space<hbm>> -> memref<1x2048xi32, #tpu.memory_space<hbm>>
      tpu.enqueue_dma source(%dma_start3A_663 : memref<1x2048xi32, #tpu.memory_space<hbm>>) target(%dma_start3A_661 : memref<1x2048xi32, #tpu.memory_space<hbm>>) target_semaphore(%arg20 : memref<!tpu.dma_semaphore, #tpu.memory_space<semaphore_mem>>)
    } else {
    }
    %jit3A_451 = arith.constant 2 : i32
    %select_n3A_452 = arith.select %or3A, %select_n3A_410, %jit3A_451 : i32
    %eq3A_453 = arith.cmpi eq, %select_n3A_410, %select_n3A_123 : i32
    %and3A_454 = arith.andi %or3A, %eq3A_453 : i1
    %convert_element_type3A_455 = arith.extui %and3A_454 : i1 to i32
    %cond3A_456 = arith.constant 0 : i32
    %cond3A_457 = arith.cmpi ne, %convert_element_type3A_455, %cond3A_456 : i32
    scf.if %cond3A_457 {
      %dma_start3A = arith.constant 2 : i32
      %dma_start3A_660 = arith.constant 0 : i32
      %dma_start3A_661 = tpu.memref_slice %arg9[%dma_start3A, %dma_start3A_660] : memref<9x2048xi32, #tpu.memory_space<hbm>> -> memref<1x2048xi32, #tpu.memory_space<hbm>>
      tpu.enqueue_dma source(%arg6 : memref<1x2048xi32, #tpu.memory_space<hbm>>) target(%dma_start3A_661 : memref<1x2048xi32, #tpu.memory_space<hbm>>) target_semaphore(%arg20 : memref<!tpu.dma_semaphore, #tpu.memory_space<semaphore_mem>>)
    } else {
    }
    %not3A_458 = arith.constant true
    %not3A_459 = arith.xori %and3A_454, %not3A_458 : i1
    %convert_element_type3A_460 = arith.extui %not3A_459 : i1 to i32
    %cond3A_461 = arith.constant 0 : i32
    %cond3A_462 = arith.cmpi ne, %convert_element_type3A_460, %cond3A_461 : i32
    scf.if %cond3A_462 {
      %dma_start3A = arith.constant 2 : i32
      %dma_start3A_660 = arith.constant 0 : i32
      %dma_start3A_661 = tpu.memref_slice %arg9[%dma_start3A, %dma_start3A_660] : memref<9x2048xi32, #tpu.memory_space<hbm>> -> memref<1x2048xi32, #tpu.memory_space<hbm>>
      %dma_start3A_662 = arith.constant 0 : i32
      %dma_start3A_663 = tpu.memref_slice %arg7[%select_n3A_452, %dma_start3A_662] : memref<9x2048xi32, #tpu.memory_space<hbm>> -> memref<1x2048xi32, #tpu.memory_space<hbm>>
      tpu.enqueue_dma source(%dma_start3A_663 : memref<1x2048xi32, #tpu.memory_space<hbm>>) target(%dma_start3A_661 : memref<1x2048xi32, #tpu.memory_space<hbm>>) target_semaphore(%arg20 : memref<!tpu.dma_semaphore, #tpu.memory_space<semaphore_mem>>)
    } else {
    }
    %jit3A_463 = arith.constant 3 : i32
    %select_n3A_464 = arith.select %or3A, %select_n3A_418, %jit3A_463 : i32
    %eq3A_465 = arith.cmpi eq, %select_n3A_418, %select_n3A_123 : i32
    %and3A_466 = arith.andi %or3A, %eq3A_465 : i1
    %convert_element_type3A_467 = arith.extui %and3A_466 : i1 to i32
    %cond3A_468 = arith.constant 0 : i32
    %cond3A_469 = arith.cmpi ne, %convert_element_type3A_467, %cond3A_468 : i32
    scf.if %cond3A_469 {
      %dma_start3A = arith.constant 3 : i32
      %dma_start3A_660 = arith.constant 0 : i32
      %dma_start3A_661 = tpu.memref_slice %arg9[%dma_start3A, %dma_start3A_660] : memref<9x2048xi32, #tpu.memory_space<hbm>> -> memref<1x2048xi32, #tpu.memory_space<hbm>>
      tpu.enqueue_dma source(%arg6 : memref<1x2048xi32, #tpu.memory_space<hbm>>) target(%dma_start3A_661 : memref<1x2048xi32, #tpu.memory_space<hbm>>) target_semaphore(%arg20 : memref<!tpu.dma_semaphore, #tpu.memory_space<semaphore_mem>>)
    } else {
    }
    %not3A_470 = arith.constant true
    %not3A_471 = arith.xori %and3A_466, %not3A_470 : i1
    %convert_element_type3A_472 = arith.extui %not3A_471 : i1 to i32
    %cond3A_473 = arith.constant 0 : i32
    %cond3A_474 = arith.cmpi ne, %convert_element_type3A_472, %cond3A_473 : i32
    scf.if %cond3A_474 {
      %dma_start3A = arith.constant 3 : i32
      %dma_start3A_660 = arith.constant 0 : i32
      %dma_start3A_661 = tpu.memref_slice %arg9[%dma_start3A, %dma_start3A_660] : memref<9x2048xi32, #tpu.memory_space<hbm>> -> memref<1x2048xi32, #tpu.memory_space<hbm>>
      %dma_start3A_662 = arith.constant 0 : i32
      %dma_start3A_663 = tpu.memref_slice %arg7[%select_n3A_464, %dma_start3A_662] : memref<9x2048xi32, #tpu.memory_space<hbm>> -> memref<1x2048xi32, #tpu.memory_space<hbm>>
      tpu.enqueue_dma source(%dma_start3A_663 : memref<1x2048xi32, #tpu.memory_space<hbm>>) target(%dma_start3A_661 : memref<1x2048xi32, #tpu.memory_space<hbm>>) target_semaphore(%arg20 : memref<!tpu.dma_semaphore, #tpu.memory_space<semaphore_mem>>)
    } else {
    }
    %jit3A_475 = arith.constant 4 : i32
    %select_n3A_476 = arith.select %or3A, %select_n3A_419, %jit3A_475 : i32
    %eq3A_477 = arith.cmpi eq, %select_n3A_419, %select_n3A_123 : i32
    %and3A_478 = arith.andi %or3A, %eq3A_477 : i1
    %convert_element_type3A_479 = arith.extui %and3A_478 : i1 to i32
    %cond3A_480 = arith.constant 0 : i32
    %cond3A_481 = arith.cmpi ne, %convert_element_type3A_479, %cond3A_480 : i32
    scf.if %cond3A_481 {
      %dma_start3A = arith.constant 4 : i32
      %dma_start3A_660 = arith.constant 0 : i32
      %dma_start3A_661 = tpu.memref_slice %arg9[%dma_start3A, %dma_start3A_660] : memref<9x2048xi32, #tpu.memory_space<hbm>> -> memref<1x2048xi32, #tpu.memory_space<hbm>>
      tpu.enqueue_dma source(%arg6 : memref<1x2048xi32, #tpu.memory_space<hbm>>) target(%dma_start3A_661 : memref<1x2048xi32, #tpu.memory_space<hbm>>) target_semaphore(%arg20 : memref<!tpu.dma_semaphore, #tpu.memory_space<semaphore_mem>>)
    } else {
    }
    %not3A_482 = arith.constant true
    %not3A_483 = arith.xori %and3A_478, %not3A_482 : i1
    %convert_element_type3A_484 = arith.extui %not3A_483 : i1 to i32
    %cond3A_485 = arith.constant 0 : i32
    %cond3A_486 = arith.cmpi ne, %convert_element_type3A_484, %cond3A_485 : i32
    scf.if %cond3A_486 {
      %dma_start3A = arith.constant 4 : i32
      %dma_start3A_660 = arith.constant 0 : i32
      %dma_start3A_661 = tpu.memref_slice %arg9[%dma_start3A, %dma_start3A_660] : memref<9x2048xi32, #tpu.memory_space<hbm>> -> memref<1x2048xi32, #tpu.memory_space<hbm>>
      %dma_start3A_662 = arith.constant 0 : i32
      %dma_start3A_663 = tpu.memref_slice %arg7[%select_n3A_476, %dma_start3A_662] : memref<9x2048xi32, #tpu.memory_space<hbm>> -> memref<1x2048xi32, #tpu.memory_space<hbm>>
      tpu.enqueue_dma source(%dma_start3A_663 : memref<1x2048xi32, #tpu.memory_space<hbm>>) target(%dma_start3A_661 : memref<1x2048xi32, #tpu.memory_space<hbm>>) target_semaphore(%arg20 : memref<!tpu.dma_semaphore, #tpu.memory_space<semaphore_mem>>)
    } else {
    }
    %jit3A_487 = arith.constant 5 : i32
    %select_n3A_488 = arith.select %or3A, %select_n3A_427, %jit3A_487 : i32
    %eq3A_489 = arith.cmpi eq, %select_n3A_427, %select_n3A_123 : i32
    %and3A_490 = arith.andi %or3A, %eq3A_489 : i1
    %convert_element_type3A_491 = arith.extui %and3A_490 : i1 to i32
    %cond3A_492 = arith.constant 0 : i32
    %cond3A_493 = arith.cmpi ne, %convert_element_type3A_491, %cond3A_492 : i32
    scf.if %cond3A_493 {
      %dma_start3A = arith.constant 5 : i32
      %dma_start3A_660 = arith.constant 0 : i32
      %dma_start3A_661 = tpu.memref_slice %arg9[%dma_start3A, %dma_start3A_660] : memref<9x2048xi32, #tpu.memory_space<hbm>> -> memref<1x2048xi32, #tpu.memory_space<hbm>>
      tpu.enqueue_dma source(%arg6 : memref<1x2048xi32, #tpu.memory_space<hbm>>) target(%dma_start3A_661 : memref<1x2048xi32, #tpu.memory_space<hbm>>) target_semaphore(%arg20 : memref<!tpu.dma_semaphore, #tpu.memory_space<semaphore_mem>>)
    } else {
    }
    %not3A_494 = arith.constant true
    %not3A_495 = arith.xori %and3A_490, %not3A_494 : i1
    %convert_element_type3A_496 = arith.extui %not3A_495 : i1 to i32
    %cond3A_497 = arith.constant 0 : i32
    %cond3A_498 = arith.cmpi ne, %convert_element_type3A_496, %cond3A_497 : i32
    scf.if %cond3A_498 {
      %dma_start3A = arith.constant 5 : i32
      %dma_start3A_660 = arith.constant 0 : i32
      %dma_start3A_661 = tpu.memref_slice %arg9[%dma_start3A, %dma_start3A_660] : memref<9x2048xi32, #tpu.memory_space<hbm>> -> memref<1x2048xi32, #tpu.memory_space<hbm>>
      %dma_start3A_662 = arith.constant 0 : i32
      %dma_start3A_663 = tpu.memref_slice %arg7[%select_n3A_488, %dma_start3A_662] : memref<9x2048xi32, #tpu.memory_space<hbm>> -> memref<1x2048xi32, #tpu.memory_space<hbm>>
      tpu.enqueue_dma source(%dma_start3A_663 : memref<1x2048xi32, #tpu.memory_space<hbm>>) target(%dma_start3A_661 : memref<1x2048xi32, #tpu.memory_space<hbm>>) target_semaphore(%arg20 : memref<!tpu.dma_semaphore, #tpu.memory_space<semaphore_mem>>)
    } else {
    }
    %jit3A_499 = arith.constant 6 : i32
    %select_n3A_500 = arith.select %or3A, %select_n3A_428, %jit3A_499 : i32
    %eq3A_501 = arith.cmpi eq, %select_n3A_428, %select_n3A_123 : i32
    %and3A_502 = arith.andi %or3A, %eq3A_501 : i1
    %convert_element_type3A_503 = arith.extui %and3A_502 : i1 to i32
    %cond3A_504 = arith.constant 0 : i32
    %cond3A_505 = arith.cmpi ne, %convert_element_type3A_503, %cond3A_504 : i32
    scf.if %cond3A_505 {
      %dma_start3A = arith.constant 6 : i32
      %dma_start3A_660 = arith.constant 0 : i32
      %dma_start3A_661 = tpu.memref_slice %arg9[%dma_start3A, %dma_start3A_660] : memref<9x2048xi32, #tpu.memory_space<hbm>> -> memref<1x2048xi32, #tpu.memory_space<hbm>>
      tpu.enqueue_dma source(%arg6 : memref<1x2048xi32, #tpu.memory_space<hbm>>) target(%dma_start3A_661 : memref<1x2048xi32, #tpu.memory_space<hbm>>) target_semaphore(%arg20 : memref<!tpu.dma_semaphore, #tpu.memory_space<semaphore_mem>>)
    } else {
    }
    %not3A_506 = arith.constant true
    %not3A_507 = arith.xori %and3A_502, %not3A_506 : i1
    %convert_element_type3A_508 = arith.extui %not3A_507 : i1 to i32
    %cond3A_509 = arith.constant 0 : i32
    %cond3A_510 = arith.cmpi ne, %convert_element_type3A_508, %cond3A_509 : i32
    scf.if %cond3A_510 {
      %dma_start3A = arith.constant 6 : i32
      %dma_start3A_660 = arith.constant 0 : i32
      %dma_start3A_661 = tpu.memref_slice %arg9[%dma_start3A, %dma_start3A_660] : memref<9x2048xi32, #tpu.memory_space<hbm>> -> memref<1x2048xi32, #tpu.memory_space<hbm>>
      %dma_start3A_662 = arith.constant 0 : i32
      %dma_start3A_663 = tpu.memref_slice %arg7[%select_n3A_500, %dma_start3A_662] : memref<9x2048xi32, #tpu.memory_space<hbm>> -> memref<1x2048xi32, #tpu.memory_space<hbm>>
      tpu.enqueue_dma source(%dma_start3A_663 : memref<1x2048xi32, #tpu.memory_space<hbm>>) target(%dma_start3A_661 : memref<1x2048xi32, #tpu.memory_space<hbm>>) target_semaphore(%arg20 : memref<!tpu.dma_semaphore, #tpu.memory_space<semaphore_mem>>)
    } else {
    }
    %jit3A_511 = arith.constant 7 : i32
    %select_n3A_512 = arith.select %or3A, %select_n3A_401, %jit3A_511 : i32
    %eq3A_513 = arith.cmpi eq, %select_n3A_401, %select_n3A_123 : i32
    %and3A_514 = arith.andi %or3A, %eq3A_513 : i1
    %convert_element_type3A_515 = arith.extui %and3A_514 : i1 to i32
    %cond3A_516 = arith.constant 0 : i32
    %cond3A_517 = arith.cmpi ne, %convert_element_type3A_515, %cond3A_516 : i32
    scf.if %cond3A_517 {
      %dma_start3A = arith.constant 7 : i32
      %dma_start3A_660 = arith.constant 0 : i32
      %dma_start3A_661 = tpu.memref_slice %arg9[%dma_start3A, %dma_start3A_660] : memref<9x2048xi32, #tpu.memory_space<hbm>> -> memref<1x2048xi32, #tpu.memory_space<hbm>>
      tpu.enqueue_dma source(%arg6 : memref<1x2048xi32, #tpu.memory_space<hbm>>) target(%dma_start3A_661 : memref<1x2048xi32, #tpu.memory_space<hbm>>) target_semaphore(%arg20 : memref<!tpu.dma_semaphore, #tpu.memory_space<semaphore_mem>>)
    } else {
    }
    %not3A_518 = arith.constant true
    %not3A_519 = arith.xori %and3A_514, %not3A_518 : i1
    %convert_element_type3A_520 = arith.extui %not3A_519 : i1 to i32
    %cond3A_521 = arith.constant 0 : i32
    %cond3A_522 = arith.cmpi ne, %convert_element_type3A_520, %cond3A_521 : i32
    scf.if %cond3A_522 {
      %dma_start3A = arith.constant 7 : i32
      %dma_start3A_660 = arith.constant 0 : i32
      %dma_start3A_661 = tpu.memref_slice %arg9[%dma_start3A, %dma_start3A_660] : memref<9x2048xi32, #tpu.memory_space<hbm>> -> memref<1x2048xi32, #tpu.memory_space<hbm>>
      %dma_start3A_662 = arith.constant 0 : i32
      %dma_start3A_663 = tpu.memref_slice %arg7[%select_n3A_512, %dma_start3A_662] : memref<9x2048xi32, #tpu.memory_space<hbm>> -> memref<1x2048xi32, #tpu.memory_space<hbm>>
      tpu.enqueue_dma source(%dma_start3A_663 : memref<1x2048xi32, #tpu.memory_space<hbm>>) target(%dma_start3A_661 : memref<1x2048xi32, #tpu.memory_space<hbm>>) target_semaphore(%arg20 : memref<!tpu.dma_semaphore, #tpu.memory_space<semaphore_mem>>)
    } else {
    }
    %jit3A_523 = arith.constant 8 : i32
    %select_n3A_524 = arith.select %or3A, %select_n3A_374, %jit3A_523 : i32
    %eq3A_525 = arith.cmpi eq, %select_n3A_374, %select_n3A_123 : i32
    %and3A_526 = arith.andi %or3A, %eq3A_525 : i1
    %convert_element_type3A_527 = arith.extui %and3A_526 : i1 to i32
    %cond3A_528 = arith.constant 0 : i32
    %cond3A_529 = arith.cmpi ne, %convert_element_type3A_527, %cond3A_528 : i32
    scf.if %cond3A_529 {
      %dma_start3A = arith.constant 8 : i32
      %dma_start3A_660 = arith.constant 0 : i32
      %dma_start3A_661 = tpu.memref_slice %arg9[%dma_start3A, %dma_start3A_660] : memref<9x2048xi32, #tpu.memory_space<hbm>> -> memref<1x2048xi32, #tpu.memory_space<hbm>>
      tpu.enqueue_dma source(%arg6 : memref<1x2048xi32, #tpu.memory_space<hbm>>) target(%dma_start3A_661 : memref<1x2048xi32, #tpu.memory_space<hbm>>) target_semaphore(%arg20 : memref<!tpu.dma_semaphore, #tpu.memory_space<semaphore_mem>>)
    } else {
    }
    %not3A_530 = arith.constant true
    %not3A_531 = arith.xori %and3A_526, %not3A_530 : i1
    %convert_element_type3A_532 = arith.extui %not3A_531 : i1 to i32
    %cond3A_533 = arith.constant 0 : i32
    %cond3A_534 = arith.cmpi ne, %convert_element_type3A_532, %cond3A_533 : i32
    scf.if %cond3A_534 {
      %dma_start3A = arith.constant 8 : i32
      %dma_start3A_660 = arith.constant 0 : i32
      %dma_start3A_661 = tpu.memref_slice %arg9[%dma_start3A, %dma_start3A_660] : memref<9x2048xi32, #tpu.memory_space<hbm>> -> memref<1x2048xi32, #tpu.memory_space<hbm>>
      %dma_start3A_662 = arith.constant 0 : i32
      %dma_start3A_663 = tpu.memref_slice %arg7[%select_n3A_524, %dma_start3A_662] : memref<9x2048xi32, #tpu.memory_space<hbm>> -> memref<1x2048xi32, #tpu.memory_space<hbm>>
      tpu.enqueue_dma source(%dma_start3A_663 : memref<1x2048xi32, #tpu.memory_space<hbm>>) target(%dma_start3A_661 : memref<1x2048xi32, #tpu.memory_space<hbm>>) target_semaphore(%arg20 : memref<!tpu.dma_semaphore, #tpu.memory_space<semaphore_mem>>)
    } else {
    }
    %gt3A_535 = arith.constant 8 : i32
    %gt3A_536 = arith.cmpi sgt, %add3A_118, %gt3A_535 : i32
    %min3A = arith.minimumf %get3A_109, %mul3A_113 : f32
    %select_n3A_537 = arith.select %gt3A_536, %select_n3A_407, %min3A : f32
    %get3A_538 = arith.constant 0 : i32
    %get3A_539 = arith.index_cast %get3A_538 : i32 to index
    %get3A_540 = memref.load %arg12[%get3A_539] : memref<9xf32, #tpu.memory_space<smem>>
    %select_n3A_541 = arith.select %or3A, %select_n3A_344, %get3A_540 : f32
    %swap3A = arith.constant 0 : i32
    %swap3A_542 = arith.index_cast %swap3A : i32 to index
    %swap3A_543 = memref.load %arg17[%swap3A_542] : memref<9xf32, #tpu.memory_space<smem>>
    memref.store %select_n3A_541, %arg17[%swap3A_542] : memref<9xf32, #tpu.memory_space<smem>>
    %get3A_544 = arith.constant 1 : i32
    %get3A_545 = arith.index_cast %get3A_544 : i32 to index
    %get3A_546 = memref.load %arg12[%get3A_545] : memref<9xf32, #tpu.memory_space<smem>>
    %select_n3A_547 = arith.select %or3A, %select_n3A_407, %get3A_546 : f32
    %swap3A_548 = arith.constant 1 : i32
    %swap3A_549 = arith.index_cast %swap3A_548 : i32 to index
    %swap3A_550 = memref.load %arg17[%swap3A_549] : memref<9xf32, #tpu.memory_space<smem>>
    memref.store %select_n3A_547, %arg17[%swap3A_549] : memref<9xf32, #tpu.memory_space<smem>>
    %get3A_551 = arith.constant 2 : i32
    %get3A_552 = arith.index_cast %get3A_551 : i32 to index
    %get3A_553 = memref.load %arg12[%get3A_552] : memref<9xf32, #tpu.memory_space<smem>>
    %select_n3A_554 = arith.select %or3A, %select_n3A_408, %get3A_553 : f32
    %swap3A_555 = arith.constant 2 : i32
    %swap3A_556 = arith.index_cast %swap3A_555 : i32 to index
    %swap3A_557 = memref.load %arg17[%swap3A_556] : memref<9xf32, #tpu.memory_space<smem>>
    memref.store %select_n3A_554, %arg17[%swap3A_556] : memref<9xf32, #tpu.memory_space<smem>>
    %get3A_558 = arith.constant 3 : i32
    %get3A_559 = arith.index_cast %get3A_558 : i32 to index
    %get3A_560 = memref.load %arg12[%get3A_559] : memref<9xf32, #tpu.memory_space<smem>>
    %select_n3A_561 = arith.select %or3A, %select_n3A_416, %get3A_560 : f32
    %swap3A_562 = arith.constant 3 : i32
    %swap3A_563 = arith.index_cast %swap3A_562 : i32 to index
    %swap3A_564 = memref.load %arg17[%swap3A_563] : memref<9xf32, #tpu.memory_space<smem>>
    memref.store %select_n3A_561, %arg17[%swap3A_563] : memref<9xf32, #tpu.memory_space<smem>>
    %get3A_565 = arith.constant 4 : i32
    %get3A_566 = arith.index_cast %get3A_565 : i32 to index
    %get3A_567 = memref.load %arg12[%get3A_566] : memref<9xf32, #tpu.memory_space<smem>>
    %select_n3A_568 = arith.select %or3A, %select_n3A_417, %get3A_567 : f32
    %swap3A_569 = arith.constant 4 : i32
    %swap3A_570 = arith.index_cast %swap3A_569 : i32 to index
    %swap3A_571 = memref.load %arg17[%swap3A_570] : memref<9xf32, #tpu.memory_space<smem>>
    memref.store %select_n3A_568, %arg17[%swap3A_570] : memref<9xf32, #tpu.memory_space<smem>>
    %get3A_572 = arith.constant 5 : i32
    %get3A_573 = arith.index_cast %get3A_572 : i32 to index
    %get3A_574 = memref.load %arg12[%get3A_573] : memref<9xf32, #tpu.memory_space<smem>>
    %select_n3A_575 = arith.select %or3A, %select_n3A_425, %get3A_574 : f32
    %swap3A_576 = arith.constant 5 : i32
    %swap3A_577 = arith.index_cast %swap3A_576 : i32 to index
    %swap3A_578 = memref.load %arg17[%swap3A_577] : memref<9xf32, #tpu.memory_space<smem>>
    memref.store %select_n3A_575, %arg17[%swap3A_577] : memref<9xf32, #tpu.memory_space<smem>>
    %get3A_579 = arith.constant 6 : i32
    %get3A_580 = arith.index_cast %get3A_579 : i32 to index
    %get3A_581 = memref.load %arg12[%get3A_580] : memref<9xf32, #tpu.memory_space<smem>>
    %select_n3A_582 = arith.select %or3A, %select_n3A_426, %get3A_581 : f32
    %swap3A_583 = arith.constant 6 : i32
    %swap3A_584 = arith.index_cast %swap3A_583 : i32 to index
    %swap3A_585 = memref.load %arg17[%swap3A_584] : memref<9xf32, #tpu.memory_space<smem>>
    memref.store %select_n3A_582, %arg17[%swap3A_584] : memref<9xf32, #tpu.memory_space<smem>>
    %get3A_586 = arith.constant 7 : i32
    %get3A_587 = arith.index_cast %get3A_586 : i32 to index
    %get3A_588 = memref.load %arg12[%get3A_587] : memref<9xf32, #tpu.memory_space<smem>>
    %select_n3A_589 = arith.select %or3A, %select_n3A_399, %get3A_588 : f32
    %swap3A_590 = arith.constant 7 : i32
    %swap3A_591 = arith.index_cast %swap3A_590 : i32 to index
    %swap3A_592 = memref.load %arg17[%swap3A_591] : memref<9xf32, #tpu.memory_space<smem>>
    memref.store %select_n3A_589, %arg17[%swap3A_591] : memref<9xf32, #tpu.memory_space<smem>>
    %get3A_593 = arith.constant 8 : i32
    %get3A_594 = arith.index_cast %get3A_593 : i32 to index
    %get3A_595 = memref.load %arg12[%get3A_594] : memref<9xf32, #tpu.memory_space<smem>>
    %select_n3A_596 = arith.select %or3A, %select_n3A_372, %get3A_595 : f32
    %swap3A_597 = arith.constant 8 : i32
    %swap3A_598 = arith.index_cast %swap3A_597 : i32 to index
    %swap3A_599 = memref.load %arg17[%swap3A_598] : memref<9xf32, #tpu.memory_space<smem>>
    memref.store %select_n3A_596, %arg17[%swap3A_598] : memref<9xf32, #tpu.memory_space<smem>>
    %select_n3A_600 = arith.select %or3A, %select_n3A_537, %get3A_109 : f32
    %swap3A_601 = arith.constant 0 : i32
    %swap3A_602 = arith.index_cast %swap3A_601 : i32 to index
    %swap3A_603 = memref.load %arg18[%swap3A_602] : memref<1xf32, #tpu.memory_space<smem>>
    memref.store %select_n3A_600, %arg18[%swap3A_602] : memref<1xf32, #tpu.memory_space<smem>>
    %swap3A_604 = arith.constant 0 : i32
    %swap3A_605 = arith.index_cast %swap3A_604 : i32 to index
    %swap3A_606 = memref.load %arg19[%swap3A_605] : memref<1xi32, #tpu.memory_space<smem>>
    memref.store %add3A_118, %arg19[%swap3A_605] : memref<1xi32, #tpu.memory_space<smem>>
    tpu.enqueue_dma source(%arg17 : memref<9xf32, #tpu.memory_space<smem>>) target(%arg8 : memref<9xf32, #tpu.memory_space<hbm>>) target_semaphore(%arg20 : memref<!tpu.dma_semaphore, #tpu.memory_space<semaphore_mem>>)
    tpu.enqueue_dma source(%arg18 : memref<1xf32, #tpu.memory_space<smem>>) target(%arg10 : memref<1xf32, #tpu.memory_space<hbm>>) target_semaphore(%arg20 : memref<!tpu.dma_semaphore, #tpu.memory_space<semaphore_mem>>)
    tpu.enqueue_dma source(%arg19 : memref<1xi32, #tpu.memory_space<smem>>) target(%arg11 : memref<1xi32, #tpu.memory_space<hbm>>) target_semaphore(%arg20 : memref<!tpu.dma_semaphore, #tpu.memory_space<semaphore_mem>>)
    %dma_wait3A = arith.constant 0 : i32
    %dma_wait3A_607 = arith.constant 0 : i32
    %dma_wait3A_608 = tpu.memref_slice %arg9[%dma_wait3A, %dma_wait3A_607] : memref<9x2048xi32, #tpu.memory_space<hbm>> -> memref<1x2048xi32, #tpu.memory_space<hbm>>
    %dma_wait3A_609 = arith.constant 0 : i32
    %dma_wait3A_610 = arith.constant 0 : i32
    %dma_wait3A_611 = tpu.memref_slice %arg7[%dma_wait3A_609, %dma_wait3A_610] : memref<9x2048xi32, #tpu.memory_space<hbm>> -> memref<1x2048xi32, #tpu.memory_space<hbm>>
    tpu.wait_dma2 semaphore(%arg20 : memref<!tpu.dma_semaphore, #tpu.memory_space<semaphore_mem>>) src(%dma_wait3A_611 : memref<1x2048xi32, #tpu.memory_space<hbm>>) dst(%dma_wait3A_608 : memref<1x2048xi32, #tpu.memory_space<hbm>>)
    %dma_wait3A_612 = arith.constant 1 : i32
    %dma_wait3A_613 = arith.constant 0 : i32
    %dma_wait3A_614 = tpu.memref_slice %arg9[%dma_wait3A_612, %dma_wait3A_613] : memref<9x2048xi32, #tpu.memory_space<hbm>> -> memref<1x2048xi32, #tpu.memory_space<hbm>>
    %dma_wait3A_615 = arith.constant 0 : i32
    %dma_wait3A_616 = arith.constant 0 : i32
    %dma_wait3A_617 = tpu.memref_slice %arg7[%dma_wait3A_615, %dma_wait3A_616] : memref<9x2048xi32, #tpu.memory_space<hbm>> -> memref<1x2048xi32, #tpu.memory_space<hbm>>
    tpu.wait_dma2 semaphore(%arg20 : memref<!tpu.dma_semaphore, #tpu.memory_space<semaphore_mem>>) src(%dma_wait3A_617 : memref<1x2048xi32, #tpu.memory_space<hbm>>) dst(%dma_wait3A_614 : memref<1x2048xi32, #tpu.memory_space<hbm>>)
    %dma_wait3A_618 = arith.constant 2 : i32
    %dma_wait3A_619 = arith.constant 0 : i32
    %dma_wait3A_620 = tpu.memref_slice %arg9[%dma_wait3A_618, %dma_wait3A_619] : memref<9x2048xi32, #tpu.memory_space<hbm>> -> memref<1x2048xi32, #tpu.memory_space<hbm>>
    %dma_wait3A_621 = arith.constant 0 : i32
    %dma_wait3A_622 = arith.constant 0 : i32
    %dma_wait3A_623 = tpu.memref_slice %arg7[%dma_wait3A_621, %dma_wait3A_622] : memref<9x2048xi32, #tpu.memory_space<hbm>> -> memref<1x2048xi32, #tpu.memory_space<hbm>>
    tpu.wait_dma2 semaphore(%arg20 : memref<!tpu.dma_semaphore, #tpu.memory_space<semaphore_mem>>) src(%dma_wait3A_623 : memref<1x2048xi32, #tpu.memory_space<hbm>>) dst(%dma_wait3A_620 : memref<1x2048xi32, #tpu.memory_space<hbm>>)
    %dma_wait3A_624 = arith.constant 3 : i32
    %dma_wait3A_625 = arith.constant 0 : i32
    %dma_wait3A_626 = tpu.memref_slice %arg9[%dma_wait3A_624, %dma_wait3A_625] : memref<9x2048xi32, #tpu.memory_space<hbm>> -> memref<1x2048xi32, #tpu.memory_space<hbm>>
    %dma_wait3A_627 = arith.constant 0 : i32
    %dma_wait3A_628 = arith.constant 0 : i32
    %dma_wait3A_629 = tpu.memref_slice %arg7[%dma_wait3A_627, %dma_wait3A_628] : memref<9x2048xi32, #tpu.memory_space<hbm>> -> memref<1x2048xi32, #tpu.memory_space<hbm>>
    tpu.wait_dma2 semaphore(%arg20 : memref<!tpu.dma_semaphore, #tpu.memory_space<semaphore_mem>>) src(%dma_wait3A_629 : memref<1x2048xi32, #tpu.memory_space<hbm>>) dst(%dma_wait3A_626 : memref<1x2048xi32, #tpu.memory_space<hbm>>)
    %dma_wait3A_630 = arith.constant 4 : i32
    %dma_wait3A_631 = arith.constant 0 : i32
    %dma_wait3A_632 = tpu.memref_slice %arg9[%dma_wait3A_630, %dma_wait3A_631] : memref<9x2048xi32, #tpu.memory_space<hbm>> -> memref<1x2048xi32, #tpu.memory_space<hbm>>
    %dma_wait3A_633 = arith.constant 0 : i32
    %dma_wait3A_634 = arith.constant 0 : i32
    %dma_wait3A_635 = tpu.memref_slice %arg7[%dma_wait3A_633, %dma_wait3A_634] : memref<9x2048xi32, #tpu.memory_space<hbm>> -> memref<1x2048xi32, #tpu.memory_space<hbm>>
    tpu.wait_dma2 semaphore(%arg20 : memref<!tpu.dma_semaphore, #tpu.memory_space<semaphore_mem>>) src(%dma_wait3A_635 : memref<1x2048xi32, #tpu.memory_space<hbm>>) dst(%dma_wait3A_632 : memref<1x2048xi32, #tpu.memory_space<hbm>>)
    %dma_wait3A_636 = arith.constant 5 : i32
    %dma_wait3A_637 = arith.constant 0 : i32
    %dma_wait3A_638 = tpu.memref_slice %arg9[%dma_wait3A_636, %dma_wait3A_637] : memref<9x2048xi32, #tpu.memory_space<hbm>> -> memref<1x2048xi32, #tpu.memory_space<hbm>>
    %dma_wait3A_639 = arith.constant 0 : i32
    %dma_wait3A_640 = arith.constant 0 : i32
    %dma_wait3A_641 = tpu.memref_slice %arg7[%dma_wait3A_639, %dma_wait3A_640] : memref<9x2048xi32, #tpu.memory_space<hbm>> -> memref<1x2048xi32, #tpu.memory_space<hbm>>
    tpu.wait_dma2 semaphore(%arg20 : memref<!tpu.dma_semaphore, #tpu.memory_space<semaphore_mem>>) src(%dma_wait3A_641 : memref<1x2048xi32, #tpu.memory_space<hbm>>) dst(%dma_wait3A_638 : memref<1x2048xi32, #tpu.memory_space<hbm>>)
    %dma_wait3A_642 = arith.constant 6 : i32
    %dma_wait3A_643 = arith.constant 0 : i32
    %dma_wait3A_644 = tpu.memref_slice %arg9[%dma_wait3A_642, %dma_wait3A_643] : memref<9x2048xi32, #tpu.memory_space<hbm>> -> memref<1x2048xi32, #tpu.memory_space<hbm>>
    %dma_wait3A_645 = arith.constant 0 : i32
    %dma_wait3A_646 = arith.constant 0 : i32
    %dma_wait3A_647 = tpu.memref_slice %arg7[%dma_wait3A_645, %dma_wait3A_646] : memref<9x2048xi32, #tpu.memory_space<hbm>> -> memref<1x2048xi32, #tpu.memory_space<hbm>>
    tpu.wait_dma2 semaphore(%arg20 : memref<!tpu.dma_semaphore, #tpu.memory_space<semaphore_mem>>) src(%dma_wait3A_647 : memref<1x2048xi32, #tpu.memory_space<hbm>>) dst(%dma_wait3A_644 : memref<1x2048xi32, #tpu.memory_space<hbm>>)
    %dma_wait3A_648 = arith.constant 7 : i32
    %dma_wait3A_649 = arith.constant 0 : i32
    %dma_wait3A_650 = tpu.memref_slice %arg9[%dma_wait3A_648, %dma_wait3A_649] : memref<9x2048xi32, #tpu.memory_space<hbm>> -> memref<1x2048xi32, #tpu.memory_space<hbm>>
    %dma_wait3A_651 = arith.constant 0 : i32
    %dma_wait3A_652 = arith.constant 0 : i32
    %dma_wait3A_653 = tpu.memref_slice %arg7[%dma_wait3A_651, %dma_wait3A_652] : memref<9x2048xi32, #tpu.memory_space<hbm>> -> memref<1x2048xi32, #tpu.memory_space<hbm>>
    tpu.wait_dma2 semaphore(%arg20 : memref<!tpu.dma_semaphore, #tpu.memory_space<semaphore_mem>>) src(%dma_wait3A_653 : memref<1x2048xi32, #tpu.memory_space<hbm>>) dst(%dma_wait3A_650 : memref<1x2048xi32, #tpu.memory_space<hbm>>)
    %dma_wait3A_654 = arith.constant 8 : i32
    %dma_wait3A_655 = arith.constant 0 : i32
    %dma_wait3A_656 = tpu.memref_slice %arg9[%dma_wait3A_654, %dma_wait3A_655] : memref<9x2048xi32, #tpu.memory_space<hbm>> -> memref<1x2048xi32, #tpu.memory_space<hbm>>
    %dma_wait3A_657 = arith.constant 0 : i32
    %dma_wait3A_658 = arith.constant 0 : i32
    %dma_wait3A_659 = tpu.memref_slice %arg7[%dma_wait3A_657, %dma_wait3A_658] : memref<9x2048xi32, #tpu.memory_space<hbm>> -> memref<1x2048xi32, #tpu.memory_space<hbm>>
    tpu.wait_dma2 semaphore(%arg20 : memref<!tpu.dma_semaphore, #tpu.memory_space<semaphore_mem>>) src(%dma_wait3A_659 : memref<1x2048xi32, #tpu.memory_space<hbm>>) dst(%dma_wait3A_656 : memref<1x2048xi32, #tpu.memory_space<hbm>>)
    tpu.wait_dma2 semaphore(%arg20 : memref<!tpu.dma_semaphore, #tpu.memory_space<semaphore_mem>>) src(%arg17 : memref<9xf32, #tpu.memory_space<smem>>) dst(%arg8 : memref<9xf32, #tpu.memory_space<hbm>>)
    tpu.wait_dma2 semaphore(%arg20 : memref<!tpu.dma_semaphore, #tpu.memory_space<semaphore_mem>>) src(%arg18 : memref<1xf32, #tpu.memory_space<smem>>) dst(%arg10 : memref<1xf32, #tpu.memory_space<hbm>>)
    tpu.wait_dma2 semaphore(%arg20 : memref<!tpu.dma_semaphore, #tpu.memory_space<semaphore_mem>>) src(%arg19 : memref<1xi32, #tpu.memory_space<smem>>) dst(%arg11 : memref<1xi32, #tpu.memory_space<hbm>>)
    return
  }
}

</mosaic_0001>

<sc_bundles>
// kernel: kernel.3.cloned.1.call-start
scs
__scs_entry_jumppad:
0x0: {  	(pc) =	sbr.rel $0x88, $3  }
0x1: {  	(tag) =	ssettag $0x0;
	lr =	simm.s32 $0x1  }
0x2: {  	[smem:$0x3F9A] =	sst lr;
	_ =	strace $0xD0000000  }
0x3: {  	_ = 	snop  }
0x4: {  	_ = 	snop  }
0x5: {  	_ = 	snop  }
0x6: {  	_ = 	snop  }
0x7: {  	_ = 	snop  }
__scs_overlays_trampoline_lowered:
0x8: {  	[smem:$0x3FA9] =	sst s0  }
0x9: {  	[smem:$0x3FAA] =	sst s1  }
0xa: {  	[smem:$0x3FAB] =	sst s2  }
0xb: {  	[smem:$0x3FAC] =	sst s3  }
0xc: {  	[smem:$0x3FAD] =	sst s4  }
0xd: {  	[smem:$0x3FAE] =	sst s5  }
0xe: {  	[smem:$0x3FAF] =	sst s6  }
0xf: {  	[smem:$0x3FB0] =	sst s7  }
0x10: {  	[smem:$0x3FB1] =	sst s8  }
0x11: {  	[smem:$0x3FB2] =	sst s9;
	s0 =	simm.s32 @!p0 $0x0  }
0x12: {  	s1 =	sld [smem:$0x3F98];
	s0 =	simm.s32 @p0 $0x1  }
0x13: {  	[smem:$0x3FB3] =	sst s0;
	s0 =	simm.s32 @!p1 $0x0  }
0x14: {  	s2 =	sld [smem:$0x3F97];
	s0 =	simm.s32 @p1 $0x1  }
0x15: {  	[smem:$0x3FB4] =	sst s0;
	s0 =	simm.s32 @!p2 $0x0  }
0x16: {  	s3 =	sld [smem:$0x3FDB];
	s0 =	simm.s32 @p2 $0x1  }
0x17: {  	s4 =	simm.s32 $0x1BF5;
	[smem:$0x3FB6] =	sst s0  }
0x18: {  	s0 =	sld [smem:$0x3F99];
	_ =	swait.ge [sflag:s4], $0x0  }
0x19: {  	s7 =	sld [smem:$0x3F9A]  }
0x1a: {  	s8 =	sadd.s32 $0xFFFFE003, lr  }
0x1b: {  	s9 =	sadd.s32 $0xFFFFFEF7, lr;
	s5 =	simm.s32 $0xFFFFFFFF;
	p2 =	slt.u32 s8, $0xFFFFF086  }
0x1c: {  	p1 =	slt.u32 s9, $0xF7A;
	s5 =	simm.s32 @!p2 $0x0  }
0x1d: {  	s5 =	simm.s32 @p1 $0x1;
	p0 =	seq.s32 s7, s2  }
0x1e: {  	s7 =	smul.u32 @!p0 $0xF7A, s2;
	p2 =	seq.s32 @!p0 s5, $0x0  }
0x1f: {  	s9 =	smul.u32 $0xF7A, s1;
	s8 =	simm.s32 @!p0 $0x1BF5;
	p2 =	por !p2, p0  }
0x20: {  	[sflag:s8] =	ssyncset.s32 @!p0 $0xFFFFF086;
	s6 =	sadd.s32 @!p0 s3, s7;
	s7 =	simm.s32 @!p0 $0x108  }
0x21: {  	s3 =	sadd.s32 s3, s9;
	s6 =	sadd.s32 @!p0 $0x88, s6;
	s7 =	simm.s32 @p2 $0x1082  }
0x22: {  	[simem:s7], [sflag:s8] =	dma.local @!p0 [hbm:s6], $0xF7A  }
0x23: {  	s9 =	sor.u32 $0xD0000000, s2;
	s6 =	simm.s32 $0x108;
	_ =	swait.ge @!p0 [sflag:s8], $0x0  }
0x24: {  	s3 =	sadd.s32 $0x88, s3;
	s6 =	simm.s32 @!p1 $0x1082;
	[sflag:s4] =	ssyncset.s32 $0xFFFFF086  }
0x25: {  	[simem:s6], [sflag:s4] =	dma.local [hbm:s3], $0xF7A  }
0x26: {  	[smem:$0x3F9A] =	sst s1;
	(tag) =	ssettag s2;
	_ =	strace s9  }
0x27: {  	s1 =	sld [smem:$0x3FAA]  }
0x28: {  	s2 =	sld [smem:$0x3FAB]  }
0x29: {  	s4 =	sld [smem:$0x3FAD]  }
0x2a: {  	p0 =	seq.s32 s5, $0x0;
	s5 =	sld [smem:$0x3FAE]  }
0x2b: {  	s6 =	sld [smem:$0x3FAF]  }
0x2c: {  	s7 =	sld [smem:$0x3FB0]  }
0x2d: {  	s3 =	simm.s32 $0x108;
	s8 =	sld [smem:$0x3FB1]  }
0x2e: {  	s3 =	simm.s32 @!p0 $0x1082;
	s9 =	sld [smem:$0x3FB2]  }
0x2f: {  	lr =	sadd.s32 s0, s3;
	s0 =	sld [smem:$0x3FA9]  }
0x30: {  	s3 =	sld [smem:$0x3FAC]  }
0x31: {  	[smem:$0x3FB5] =	sst s10  }
0x32: {  	s10 =	sld [smem:$0x3FB3];
	_ =	sdelay $0x3  }
0x33: {  	p0 =	seq.s32 s10, $0x1;
	s10 =	sld [smem:$0x3FB5];
	_ =	sdelay $0x3  }
0x34: {  	[smem:$0x3FB5] =	sst s10  }
0x35: {  	s10 =	sld [smem:$0x3FB4];
	_ =	sdelay $0x3  }
0x36: {  	p1 =	seq.s32 s10, $0x1;
	s10 =	sld [smem:$0x3FB5];
	_ =	sdelay $0x3  }
0x37: {  	[smem:$0x3FB5] =	sst s10  }
0x38: {  	s10 =	sld [smem:$0x3FB6]  }
0x39: {  	_ = 	snop;
	(pc) =	sbr.ind lr, $3  }
0x3a: {  	_ = 	snop  }
0x3b: {  	_ = 	snop  }
0x3c: {  	p2 =	seq.s32 s10, $0x1;
	s10 =	sld [smem:$0x3FB5]  }
0x3d: {  	_ =	shalt  }
0x3e: {  	_ =	shalt  }
0x3f: {  	_ =	shalt  }
0x40: {  	_ =	shalt  }
0x41: {  	_ =	shalt  }
0x42: {  	_ =	shalt  }
0x43: {  	_ =	shalt  }
0x44: {  	_ =	shalt  }
0x45: {  	_ =	shalt  }
0x46: {  	_ =	shalt  }
0x47: {  	_ =	shalt  }
0x48: {  	_ =	shalt  }
0x49: {  	_ =	shalt  }
0x4a: {  	_ =	shalt  }
0x4b: {  	_ =	shalt  }
0x4c: {  	_ =	shalt  }
0x4d: {  	_ =	shalt  }
0x4e: {  	_ =	shalt  }
0x4f: {  	_ =	shalt  }
0x50: {  	_ =	shalt  }
0x51: {  	_ =	shalt  }
0x52: {  	_ =	shalt  }
0x53: {  	_ =	shalt  }
0x54: {  	_ =	shalt  }
0x55: {  	_ =	shalt  }
0x56: {  	_ =	shalt  }
0x57: {  	_ =	shalt  }
0x58: {  	_ =	shalt  }
0x59: {  	_ =	shalt  }
0x5a: {  	_ =	shalt  }
0x5b: {  	_ =	shalt  }
0x5c: {  	_ =	shalt  }
0x5d: {  	_ =	shalt  }
0x5e: {  	_ =	shalt  }
0x5f: {  	_ =	shalt  }
0x60: {  	_ =	shalt  }
0x61: {  	_ =	shalt  }
0x62: {  	_ =	shalt  }
0x63: {  	_ =	shalt  }
0x64: {  	_ =	shalt  }
0x65: {  	_ =	shalt  }
0x66: {  	_ =	shalt  }
0x67: {  	_ =	shalt  }
0x68: {  	_ =	shalt  }
0x69: {  	_ =	shalt  }
0x6a: {  	_ =	shalt  }
0x6b: {  	_ =	shalt  }
0x6c: {  	_ =	shalt  }
0x6d: {  	_ =	shalt  }
0x6e: {  	_ =	shalt  }
0x6f: {  	_ =	shalt  }
0x70: {  	_ =	shalt  }
0x71: {  	_ =	shalt  }
0x72: {  	_ =	shalt  }
0x73: {  	_ =	shalt  }
0x74: {  	_ =	shalt  }
0x75: {  	_ =	shalt  }
0x76: {  	_ =	shalt  }
0x77: {  	_ =	shalt  }
0x78: {  	_ =	shalt  }
0x79: {  	_ =	shalt  }
0x7a: {  	_ =	shalt  }
0x7b: {  	_ =	shalt  }
0x7c: {  	_ =	shalt  }
0x7d: {  	_ =	shalt  }
0x7e: {  	_ =	shalt  }
0x7f: {  	_ =	shalt  }
0x80: {  	_ =	shalt  }
0x81: {  	_ =	shalt  }
0x82: {  	_ =	shalt  }
0x83: {  	_ =	shalt  }
0x84: {  	_ =	shalt  }
0x85: {  	_ =	shalt  }
0x86: {  	_ =	shalt  }
0x87: {  	_ =	shalt  }
.Lfunc_end0:
.L_simem_size_0:
called_computation_lowered:
.L_overlay_start_0:
0x88: {  	s0 =	sld [smem:$0x3FD9]  }
0x89: {  	s1 =	sld [smem:$0x3FFE];
	_ =	sdelay $0x3  }
0x8a: {  	s0 =	sadd.s32 s1, s0  }
0x8b: {  	[smem:$0x3FC1] =	sst s0  }
0x8c: {  	_ = 	snop  }
0x8d: {  	s4 =	sld [smem:$0x3FC9]  }
0x8e: {  	s0 =	sld [smem:$0x3FC8]  }
0x8f: {  	s18 =	sld [smem:$0x3FC7]  }
0x90: {  	s2 =	sld [smem:$0x3FC6]  }
0x91: {  	s3 =	sld [smem:$0x3FD0]  }
0x92: {  	s7 =	sld [smem:$0x3FC5]  }
0x93: {  	s8 =	sld [smem:$0x3FC4]  }
0x94: {  	s9 =	simm.s32 $0xA;
	s5 =	simm.s32 $0x410;
	s6 =	sld [smem:$0x3FC3]  }
0x95: {  	[smem:s5], [sflag:s9] =	dma.local [hbm:s3], $0x1  }
0x96: {  	_ =	swait.eq [sflag:s9], $0x1  }
0x97: {  	s19 =	sld [smem:$0x410]  }
0x98: {  	s5 =	sld [smem:$0x411]  }
0x99: {  	[sflag:s9] =	ssyncset.done $0x0;
	s20 =	sld [smem:$0x412]  }
0x9a: {  	s13 =	simm.s32 $0x0;
	s21 =	sld [smem:$0x413];
	[sflag:s9] =	ssyncadd.s32 $0xFFFFFFFF  }
0x9b: {  	[smem:$0xF] =	sst s13  }
0x9c: {  	[dreg:$0x9] =	wrdreg s19  }
0x9d: {  	[dreg:$0xa] =	wrdreg s20  }
0x9e: {  	[dreg:$0xb] =	wrdreg s21  }
0x9f: {  	(tm) =	ssettm $0x1  }
0xa0: {  	s22 =	sld [smem:$0x3FFB];
	_ =	sdelay $0x3  }
0xa1: {  	_ =	strace s22  }
0xa2: {  	s3 =	sld [smem:$0x3FFC];
	_ =	sdelay $0x3  }
0xa3: {  	_ =	strace s3  }
0xa4: {  	s3 =	sld [smem:$0x3FFD];
	_ =	sdelay $0x3  }
0xa5: {  	_ =	strace s3  }
0xa6: {  	s23 =	simm.s32 $0x1B8B;
	_ =	strace $0x8FFFFFFF  }
0xa7: {  	_ =	swait.ge [sflag:s23], $0x1  }
0xa8: {  	[sflag:s23] =	ssyncset.done $0x0  }
0xa9: {  	s24 =	simm.s32 $0x1B8E;
	[sflag:s23] =	ssyncadd.s32 $0xFFFFFFFF  }
0xaa: {  	s25 =	simm.s32 $0x10;
	[smem:$0x3FD2] =	sst s24  }
0xab: {  	s26 =	simm.s32 $0x90;
	s3 =	simm.s32 $0x9;
	_ =	strace $0x80000046  }
0xac: {  	[smem:s25], [sflag:s3] =	dma.local [hbm:s8], $0x10  }
0xad: {  	s10 =	simm.s32 $0x210;
	s9 =	simm.s32 $0x190;
	s8 =	simm.s32 $0x110  }
0xae: {  	[smem:s26], [sflag:s3] =	dma.local [hbm:s0], $0x10  }
0xaf: {  	[smem:s8], [sflag:s3] =	dma.local [hbm:s7], $0x10  }
0xb0: {  	[smem:s9], [sflag:s3] =	dma.local [hbm:s18], $0x10  }
0xb1: {  	[smem:s10], [sflag:s3] =	dma.local [hbm:s2], $0x10  }
0xb2: {  	_ =	swait.ge [sflag:s3], $0x10  }
0xb3: {  	[sflag:s3] =	ssyncset.done $0x0  }
0xb4: {  	[sflag:s3] =	ssyncadd.s32 $0xFFFFFFF0  }
0xb5: {  	s0 =	sld [smem:$0x190];
	_ =	sdelay $0x3  }
0xb6: {  	p0 =	sgt.s32 s0, $0xFFFF;
	s2 =	sshrl.u32 s0, $0x10  }
0xb7: {  	s11 =	scvt.s32.f32 s0;
	s0 =	smov.u32 @p0 s2  }
0xb8: {  	p1 =	sgt.s32 s0, $0xFF;
	s2 =	sshrl.u32 s0, $0x8  }
0xb9: {  	s0 =	smov.u32 @p1 s2  }
0xba: {  	p2 =	sgt.s32 s0, $0xF;
	s2 =	sshrl.u32 s0, $0x4  }
0xbb: {  	s0 =	smov.u32 @p2 s2  }
0xbc: {  	p3 =	sgt.s32 s0, $0x3;
	s2 =	sshrl.u32 s0, $0x2  }
0xbd: {  	s0 =	smov.u32 @p3 s2  }
0xbe: {  	s2 =	simm.f32 $2.500000000e-01;
	p4 =	sgt.s32 s0, $0x1;
	s0 =	simm.f32 $5.000000000e-01  }
0xbf: {  	s2 =	simm.s32 @!p3 $0x3F800000;
	s0 =	simm.s32 @!p4 $0x3F800000  }
0xc0: {  	s0 =	smul.f32 s0, s2;
	s2 =	simm.f32 $6.250000000e-02  }
0xc1: {  	s2 =	simm.s32 @!p2 $0x3F800000  }
0xc2: {  	s0 =	smul.f32 s0, s2;
	s2 =	simm.f32 $3.906250000e-03  }
0xc3: {  	s2 =	simm.s32 @!p1 $0x3F800000  }
0xc4: {  	s0 =	smul.f32 s0, s2;
	s2 =	simm.f32 $1.525878910e-05  }
0xc5: {  	s2 =	simm.s32 @!p0 $0x3F800000  }
0xc6: {  	s0 =	smul.f32 s0, s2;
	_ =	sdelay $0x1  }
0xc7: {  	s0 =	smul.f32 $5.000000000e-01, s0;
	_ =	sdelay $0x1  }
0xc8: {  	s12 =	smul.f32 s11, s0;
	_ =	sdelay $0x1  }
0xc9: {  	s2 =	smul.f32 $-1.882352950e+00, s12;
	_ =	sdelay $0x1  }
0xca: {  	s2 =	sadd.f32 $2.823529480e+00, s2;
	_ =	sdelay $0x1  }
0xcb: {  	s0 =	smul.f32 s2, s0;
	_ =	sdelay $0x1  }
0xcc: {  	s2 =	smul.f32 s11, s0;
	_ =	sdelay $0x1  }
0xcd: {  	s2 =	ssub.f32 $2.000000000e+00, s2;
	_ =	sdelay $0x1  }
0xce: {  	s0 =	smul.f32 s2, s0;
	_ =	sdelay $0x1  }
0xcf: {  	_ =	swait.ge [sflag:s3], $0x10;
	s2 =	smul.f32 s11, s0  }
0xd0: {  	[sflag:s3] =	ssyncset.done $0x0  }
0xd1: {  	[sflag:s3] =	ssyncadd.s32 $0xFFFFFFF0;
	s2 =	ssub.f32 $2.000000000e+00, s2;
	_ =	sdelay $0x1  }
0xd2: {  	s0 =	smul.f32 s2, s0  }
0xd3: {  	_ =	swait.ge [sflag:s3], $0x10  }
0xd4: {  	[sflag:s3] =	ssyncset.done $0x0;
	s2 =	smul.f32 s11, s0  }
0xd5: {  	[sflag:s3] =	ssyncadd.s32 $0xFFFFFFF0  }
0xd6: {  	s2 =	ssub.f32 $2.000000000e+00, s2;
	_ =	sdelay $0x1  }
0xd7: {  	_ =	swait.ge [sflag:s3], $0x10;
	s0 =	smul.f32 s2, s0  }
0xd8: {  	[sflag:s3] =	ssyncset.done $0x0  }
0xd9: {  	[sflag:s3] =	ssyncadd.s32 $0xFFFFFFF0;
	s1 =	smul.f32 s11, s0  }
0xda: {  	s14 =	sld [smem:$0x90]  }
0xdb: {  	s1 =	ssub.f32 $2.000000000e+00, s1;
	_ =	sdelay $0x1  }
0xdc: {  	s7 =	sld [smem:$0x110];
	s0 =	smul.f32 s1, s0  }
0xdd: {  	s15 =	sld [smem:$0x210];
	_ =	swait.ge [sflag:s3], $0x10  }
0xde: {  	[sflag:s3] =	ssyncset.done $0x0;
	s8 =	smul.f32 s0, s14  }
0xdf: {  	[sflag:s3] =	ssyncadd.s32 $0xFFFFFFF0  }
0xe0: {  	s9 =	sld [smem:$0x11];
	p1 =	sgt.f32 s8, s7  }
0xe1: {  	p2 =	slt.s32 s15, $0x8;
	s11 =	sld [smem:$0x10]  }
0xe2: {  	s17 =	sld [smem:$0x17];
	p0 =	por p2, p1  }
0xe3: {  	s22 =	simm.s32 $0x2;
	s16 =	sld [smem:$0x14];
	s0 =	simm.s32 @!p0 $0x0  }
0xe4: {  	s18 =	simm.s32 $0x1;
	s2 =	sld [smem:$0x13];
	s0 =	simm.s32 @p0 $0x1  }
0xe5: {  	s12 =	smov.u32 s11;
	[smem:$0x3F96] =	sst s0;
	s0 =	simm.s32 $0x1  }
0xe6: {  	s1 =	sld [smem:$0x18];
	p1 =	slt.f32 s17, s9;
	s0 =	simm.s32 @!p0 $0x0  }
0xe7: {  	s14 =	sld [smem:$0x15];
	s10 =	smov.u32 s8;
	s0 =	sadd.s32 s0, s15  }
0xe8: {  	s18 =	simm.s32 @!p1 $0x7;
	s15 =	sld [smem:$0x12];
	p0 =	sgt.s32 s0, $0x9  }
0xe9: {  	[dreg:$0xc] =	wrdreg s0;
	s12 =	smov.u32 @p0 s8;
	s0 =	simm.s32 @!p0 $0x0  }
0xea: {  	s10 =	smov.u32 @p0 s1;
	s1 =	smov.u32 s16;
	s0 =	simm.s32 @p0 $0x1  }
0xeb: {  	p4 =	slt.f32 s2, s12;
	s19 =	smov.u32 s12;
	[smem:$0x3F95] =	sst s0  }
0xec: {  	s0 =	smov.u32 s9;
	p2 =	slt.f32 s14, s15;
	s20 =	smov.u32 s15  }
0xed: {  	s0 =	smov.u32 @p1 s17;
	s19 =	smov.u32 @p4 s2;
	s17 =	smov.u32 @p1 s9  }
0xee: {  	p5 =	por !p1, !p4;
	s9 =	simm.s32 $0x3;
	s2 =	smov.u32 @p4 s12  }
0xef: {  	s12 =	sld [smem:$0x16];
	s13 =	simm.s32 @!p4 $0x3;
	p3 =	seq.f32 s17, s19  }
0xf0: {  	p5 =	por !p5, !p5;
	p6 =	slt.f32 s17, s19;
	s9 =	simm.s32 @!p4 $0x0  }
0xf1: {  	s20 =	smov.u32 @p2 s14;
	s26 =	smov.u32 s19;
	s14 =	smov.u32 @p2 s15  }
0xf2: {  	s15 =	simm.s32 $0x4;
	s23 =	smov.u32 s2;
	s24 =	smov.u32 s13  }
0xf3: {  	s22 =	simm.s32 @!p2 $0x5;
	s30 =	smov.u32 s0;
	p5 =	por !p5, !p3  }
0xf4: {  	s28 =	smov.u32 s9;
	p3 =	por !p5, !p5;
	p5 =	slt.f32 s10, s16  }
0xf5: {  	s25 =	smov.u32 s14;
	s29 =	smov.u32 s22;
	p6 =	por p6, p3  }
0xf6: {  	s1 =	smov.u32 @p5 s10;
	p3 =	por !p5, !p5;
	s26 =	smov.u32 @p6 s17  }
0xf7: {  	s17 =	smov.u32 @p6 s19;
	s28 =	smov.u32 @p6 s18;
	s18 =	smov.u32 @p6 s9  }
0xf8: {  	s9 =	simm.s32 $0x5;
	p0 =	por !p3, !p2;
	p3 =	seq.f32 s1, s20  }
0xf9: {  	s19 =	smov.u32 s20;
	s10 =	smov.u32 @p5 s16;
	p0 =	por !p0, !p0  }
0xfa: {  	s16 =	simm.s32 $0x8;
	p6 =	slt.f32 s1, s20;
	p0 =	por !p0, !p3  }
0xfb: {  	s15 =	simm.s32 @!p5 $0x8;
	s9 =	simm.s32 @!p2 $0x2;
	p0 =	por !p0, !p0  }
0xfc: {  	s16 =	simm.s32 @!p5 $0x4;
	s21 =	smov.u32 s9;
	p0 =	por p6, p0  }
0xfd: {  	p6 =	slt.f32 s10, s2;
	s19 =	smov.u32 @p0 s1;
	s1 =	smov.u32 @p0 s20  }
0xfe: {  	s21 =	smov.u32 @p0 s16;
	s16 =	smov.u32 @p0 s9;
	s9 =	simm.s32 $0x7  }
0xff: {  	s20 =	smov.u32 s18;
	p3 =	seq.f32 s19, s26;
	s23 =	smov.u32 @p6 s10  }
0x100: {  	p4 =	slt.u32 s21, s28;
	p5 =	slt.f32 s19, s26;
	s10 =	smov.u32 @p6 s2  }
0x101: {  	s24 =	smov.u32 @p6 s15;
	s15 =	smov.u32 @p6 s13;
	s13 =	smov.u32 s26  }
0x102: {  	s9 =	simm.s32 @!p1 $0x1;
	p0 =	por !p3, !p4;
	p4 =	slt.f32 s12, s14  }
0x103: {  	s2 =	smov.u32 s28;
	p6 =	seq.f32 s23, s0;
	p1 =	slt.u32 s24, s9  }
0x104: {  	p2 =	slt.f32 s23, s0;
	p0 =	por !p0, !p0;
	s25 =	smov.u32 @p4 s12  }
0x105: {  	p5 =	por p5, p0;
	s12 =	smov.u32 @p4 s14;
	s29 =	simm.s32 @p4 $0x6  }
0x106: {  	p0 =	por !p6, !p1;
	s14 =	smov.u32 s17;
	s22 =	simm.s32 @!p4 $0x6  }
0x107: {  	s13 =	smov.u32 @p5 s19;
	s19 =	smov.u32 @p5 s26;
	s2 =	smov.u32 @p5 s21  }
0x108: {  	p3 =	seq.f32 s25, s1;
	s21 =	smov.u32 @p5 s28;
	p0 =	por !p0, !p0  }
0x109: {  	p6 =	slt.u32 s29, s16;
	p5 =	slt.f32 s25, s1;
	s28 =	smov.u32 s1  }
0x10a: {  	s26 =	smov.u32 s16;
	p2 =	por p2, p0;
	p1 =	por !p3, !p6  }
0x10b: {  	s30 =	smov.u32 @p2 s23;
	s23 =	smov.u32 @p2 s0;
	s0 =	smov.u32 s9  }
0x10c: {  	p6 =	seq.f32 s10, s17;
	p1 =	por !p1, !p1;
	s0 =	smov.u32 @p2 s24  }
0x10d: {  	s24 =	smov.u32 @p2 s9;
	p1 =	por p5, p1;
	p5 =	slt.u32 s15, s18  }
0x10e: {  	p4 =	seq.f32 s12, s23;
	s9 =	smov.u32 s0;
	p0 =	por !p6, !p5  }
0x10f: {  	p6 =	slt.f32 s10, s17;
	s28 =	smov.u32 @p1 s25;
	s25 =	smov.u32 @p1 s1  }
0x110: {  	s26 =	smov.u32 @p1 s29;
	s29 =	smov.u32 @p1 s16;
	s16 =	smov.u32 s23  }
0x111: {  	s1 =	smov.u32 s2;
	p0 =	por !p0, !p0;
	p3 =	seq.f32 s28, s30  }
0x112: {  	p5 =	slt.u32 s26, s0;
	p0 =	por p6, p0;
	p6 =	slt.f32 s28, s30  }
0x113: {  	s14 =	smov.u32 @p0 s10;
	s10 =	smov.u32 @p0 s17;
	p1 =	por !p3, !p5  }
0x114: {  	s20 =	smov.u32 @p0 s15;
	s15 =	smov.u32 @p0 s18;
	p5 =	slt.u32 s22, s24  }
0x115: {  	s18 =	smov.u32 s30;
	s17 =	smov.u32 s25;
	p1 =	por !p1, !p1  }
0x116: {  	p0 =	por !p4, !p5;
	p4 =	seq.f32 s14, s25;
	p5 =	slt.u32 s20, s29  }
0x117: {  	p1 =	por p6, p1;
	p6 =	slt.f32 s12, s23;
	p0 =	por !p0, !p0  }
0x118: {  	s18 =	smov.u32 @p1 s28;
	s28 =	smov.u32 @p1 s30;
	s9 =	smov.u32 @p1 s26  }
0x119: {  	p2 =	por !p4, !p5;
	s26 =	smov.u32 @p1 s0;
	s0 =	smov.u32 s29  }
0x11a: {  	p0 =	por p6, p0;
	p6 =	slt.f32 s14, s25;
	p3 =	por !p2, !p2  }
0x11b: {  	p4 =	seq.f32 s18, s13;
	p5 =	slt.u32 s9, s2;
	p2 =	seq.f32 s28, s19  }
0x11c: {  	s16 =	smov.u32 @p0 s12;
	s12 =	smov.u32 @p0 s23;
	s23 =	smov.u32 s24  }
0x11d: {  	s23 =	smov.u32 @p0 s22;
	p1 =	por p6, p3;
	s22 =	smov.u32 @p0 s24  }
0x11e: {  	p6 =	slt.f32 s18, s13;
	p0 =	por !p4, !p5;
	p4 =	slt.u32 s26, s21  }
0x11f: {  	s17 =	smov.u32 @p1 s14;
	s14 =	smov.u32 @p1 s25;
	s0 =	smov.u32 @p1 s20  }
0x120: {  	p0 =	por !p0, !p0;
	s20 =	smov.u32 @p1 s29;
	s25 =	smov.u32 s19  }
0x121: {  	s29 =	smov.u32 s21;
	p5 =	por p6, p0;
	p6 =	slt.f32 s28, s19  }
0x122: {  	p0 =	por !p2, !p4;
	p3 =	seq.f32 s17, s16;
	p4 =	slt.u32 s0, s23  }
0x123: {  	s1 =	smov.u32 @p5 s9;
	p0 =	por !p0, !p0;
	s9 =	smov.u32 @p5 s2  }
0x124: {  	p0 =	por p6, p0;
	p6 =	slt.f32 s17, s16;
	p2 =	por !p3, !p4  }
0x125: {  	p3 =	slt.u32 s15, s22;
	s31 =	smov.u32 s9;
	s25 =	smov.u32 @p0 s28  }
0x126: {  	p2 =	por !p2, !p2;
	s28 =	smov.u32 @p0 s19;
	s29 =	smov.u32 @p0 s26  }
0x127: {  	s19 =	smov.u32 s16;
	s26 =	smov.u32 @p0 s21;
	s21 =	smov.u32 s23  }
0x128: {  	p1 =	por p6, p2;
	p2 =	seq.f32 s10, s12;
	s24 =	smov.u32 s25  }
0x129: {  	s2 =	smov.u32 s29;
	s30 =	smov.u32 s26;
	s19 =	smov.u32 @p1 s17  }
0x12a: {  	s17 =	smov.u32 @p1 s16;
	s21 =	smov.u32 @p1 s0;
	s0 =	smov.u32 @p1 s23  }
0x12b: {  	p4 =	seq.f32 s19, s25;
	p0 =	por !p2, !p3;
	p2 =	slt.f32 s10, s12  }
0x12c: {  	s16 =	smov.u32 s22;
	p6 =	slt.u32 s21, s29;
	p0 =	por !p0, !p0  }
0x12d: {  	p3 =	por !p4, !p6;
	p4 =	slt.f32 s19, s25;
	p6 =	por p2, p0  }
0x12e: {  	p2 =	seq.f32 s17, s28;
	p1 =	por !p3, !p3;
	s16 =	smov.u32 @p6 s15  }
0x12f: {  	s15 =	smov.u32 @p6 s22;
	p3 =	slt.u32 s0, s26;
	s22 =	smov.u32 s12  }
0x130: {  	s23 =	simm.s32 @!p6 $0x0;
	p0 =	por p4, p1;
	p1 =	por !p2, !p3  }
0x131: {  	p4 =	slt.f32 s17, s28;
	s23 =	simm.s32 @p6 $0x1;
	s22 =	smov.u32 @p6 s10  }
0x132: {  	p3 =	slt.u32 s20, s16;
	s24 =	smov.u32 @p0 s19;
	s19 =	smov.u32 @p0 s25  }
0x133: {  	[smem:$0x3F92] =	sst s23;
	s2 =	smov.u32 @p0 s21;
	p1 =	por !p1, !p1  }
0x134: {  	s21 =	smov.u32 @p0 s29;
	p2 =	seq.f32 s14, s22;
	s23 =	smov.u32 s18  }
0x135: {  	s25 =	smov.u32 s28;
	s29 =	simm.s32 @!p5 $0x0;
	p1 =	por p4, p1  }
0x136: {  	s29 =	simm.s32 @p5 $0x1;
	s23 =	smov.u32 @p5 s13;
	p4 =	slt.f32 s14, s22  }
0x137: {  	p6 =	slt.u32 s2, s9;
	[smem:$0x3F93] =	sst s29;
	s25 =	smov.u32 @p1 s17  }
0x138: {  	p0 =	por !p2, !p3;
	p5 =	seq.f32 s24, s23;
	s17 =	smov.u32 @p1 s28  }
0x139: {  	s29 =	smov.u32 s16;
	s30 =	smov.u32 @p1 s0;
	p0 =	por !p0, !p0  }
0x13a: {  	s0 =	smov.u32 @p1 s26;
	s26 =	smov.u32 s22;
	p4 =	por p4, p0  }
0x13b: {  	s29 =	smov.u32 @p4 s20;
	s20 =	smov.u32 @p4 s16;
	s16 =	simm.s32 @!p4 $0x0  }
0x13c: {  	s28 =	simm.s32 $0x0;
	p2 =	seq.f32 s25, s19;
	s16 =	simm.s32 @p4 $0x1  }
0x13d: {  	p5 =	por !p5, !p6;
	p6 =	slt.f32 s24, s23;
	[smem:$0x3F94] =	sst s16  }
0x13e: {  	p0 =	por !p5, !p5;
	s26 =	smov.u32 @p4 s14;
	s16 =	sld [smem:$0x3F95]  }
0x13f: {  	p3 =	slt.u32 s30, s21;
	p5 =	por p6, p0;
	p6 =	seq.f32 s26, s17  }
0x140: {  	s31 =	smov.u32 @p5 s2;
	s2 =	smov.u32 @p5 s9;
	s9 =	sld [smem:$0x3F96]  }
0x141: {  	p4 =	slt.u32 s29, s0;
	p0 =	por !p2, !p3;
	p3 =	slt.f32 s26, s17  }
0x142: {  	p1 =	por !p6, !p4;
	p6 =	slt.f32 s25, s19;
	p4 =	seq.s32 s16, $0x1  }
0x143: {  	p0 =	por !p0, !p0;
	s28 =	simm.s32 @!p4 $0x8;
	p4 =	por !p1, !p1  }
0x144: {  	p6 =	por p6, p0;
	p0 =	por p3, p4;
	p4 =	seq.s32 s9, $0x1  }
0x145: {  	p1 =	sne.s32 @p4 s1, s28  }
0x146: {  	p1 =	por !p4, p1  }
.Ltmp0:
0x147: {  	_ = 	snop;
	(pc) =	sbr.rel @p1 .LBB1_2-.Ltmp0, $3  }
0x148: {  	s16 =	smov.u32 s21  }
0x149: {  	s16 =	smov.u32 @p6 s30;
	s30 =	smov.u32 @p6 s21;
	s9 =	smov.u32 s0  }
0x14a: {  	s9 =	smov.u32 @p0 s29;
	s29 =	smov.u32 @p0 s0;
	s0 =	simm.s32 $0x1  }
.Ltmp1:
0x14b: {  	(pc) =	sbr.rel .LBB1_3-.Ltmp1, $3  }
0x14c: {  	_ = 	snop  }
0x14d: {  	s1 =	simm.s32 $0x80;
	s21 =	simm.s32 $0x10  }
0x14e: {  	[hbm:s5@s1], [sflag:s3] =	dma.strided [hbm:s4@s21], $0x100, s0, $0x10   }
.LBB1_2:
0x14f: {  	s1 =	simm.s32 @!p4 $0x0  }
0x150: {  	s21 =	sshll.u32 s1, $0x4  }
0x151: {  	s1 =	sshll.u32 s1, $0x8;
	s21 =	sand.u32 $0x70, s21  }
0x152: {  	s1 =	sand.u32 $0x800, s1;
	s21 =	sadd.s32 s6, s21  }
0x153: {  	s1 =	sadd.s32 s1, s21;
	s21 =	simm.s32 $0x80  }
0x154: {  	[hbm:s5@s21], [sflag:s3] =	dma.strided [hbm:s1@s21], $0x100, s0, $0x10   }
.LBB1_3:
0x155: {  	p2 =	sne.s32 s31, s28;
	p1 =	por !p4, !p4  }
0x156: {  	p2 =	por p1, p2  }
0x157: {  	p3 =	por !p4, !p2  }
0x158: {  	s31 =	simm.s32 @p3 $0x1  }
0x159: {  	s0 =	sshll.u32 @p2 s31, $0xB;
	s1 =	sshll.u32 @p2 s31, $0x7  }
0x15a: {  	s0 =	sand.u32 @p2 $0x7FFFC000, s0;
	s1 =	sand.u32 @p2 $0x380, s1  }
0x15b: {  	s0 =	sor.u32 @p2 s1, s0  }
0x15c: {  	s21 =	simm.s32 @p2 $0x1;
	s0 =	sshrl.u32 @p2 s0, $0x3  }
0x15d: {  	s31 =	simm.s32 @p2 $0x80;
	s1 =	sadd.s32 @p2 $0x10, s5;
	s0 =	sadd.s32 @p2 s6, s0  }
0x15e: {  	[hbm:s1@s31], [sflag:s3] =	dma.strided @p2 [hbm:s0@s31], $0x100, s21, $0x10   }
0x15f: {  	p3 =	sne.s32 s2, s28;
	s0 =	sadd.s32 @!p2 $0x10, s5  }
0x160: {  	s1 =	simm.s32 @!p2 $0x1;
	s21 =	simm.s32 @!p2 $0x80;
	s31 =	simm.s32 @!p2 $0x10  }
0x161: {  	[hbm:s0@s21], [sflag:s3] =	dma.strided @!p2 [hbm:s4@s31], $0x100, s1, $0x10   }
0x162: {  	p2 =	por p1, p3  }
0x163: {  	p3 =	por !p4, !p2  }
0x164: {  	s2 =	simm.s32 @p3 $0x2  }
0x165: {  	s0 =	sshll.u32 @p2 s2, $0xB;
	s1 =	sshll.u32 @p2 s2, $0x7  }
0x166: {  	s0 =	sand.u32 @p2 $0x7FFFC000, s0;
	s1 =	sand.u32 @p2 $0x380, s1  }
0x167: {  	s0 =	sor.u32 @p2 s1, s0  }
0x168: {  	s21 =	simm.s32 @p2 $0x80;
	s0 =	sshrl.u32 @p2 s0, $0x3  }
0x169: {  	s2 =	simm.s32 @p2 $0x1;
	s1 =	sadd.s32 @p2 $0x20, s5;
	s0 =	sadd.s32 @p2 s6, s0  }
0x16a: {  	[hbm:s1@s21], [sflag:s3] =	dma.strided @p2 [hbm:s0@s21], $0x100, s2, $0x10   }
0x16b: {  	p3 =	sne.s32 s16, s28;
	s0 =	sadd.s32 @!p2 $0x20, s5  }
0x16c: {  	s1 =	simm.s32 @!p2 $0x1;
	s2 =	simm.s32 @!p2 $0x80;
	s21 =	simm.s32 @!p2 $0x10  }
0x16d: {  	[hbm:s0@s2], [sflag:s3] =	dma.strided @!p2 [hbm:s4@s21], $0x100, s1, $0x10   }
0x16e: {  	p2 =	por p1, p3  }
0x16f: {  	p3 =	por !p4, !p2  }
0x170: {  	s16 =	simm.s32 @p3 $0x3  }
0x171: {  	s0 =	sshll.u32 @p2 s16, $0xB;
	s1 =	sshll.u32 @p2 s16, $0x7  }
0x172: {  	s0 =	sand.u32 @p2 $0x7FFFC000, s0;
	s1 =	sand.u32 @p2 $0x380, s1  }
0x173: {  	s0 =	sor.u32 @p2 s1, s0  }
0x174: {  	s2 =	simm.s32 @p2 $0x1;
	s0 =	sshrl.u32 @p2 s0, $0x3  }
0x175: {  	s16 =	simm.s32 @p2 $0x80;
	s1 =	sadd.s32 @p2 $0x30, s5;
	s0 =	sadd.s32 @p2 s6, s0  }
0x176: {  	[hbm:s1@s16], [sflag:s3] =	dma.strided @p2 [hbm:s0@s16], $0x100, s2, $0x10   }
0x177: {  	p3 =	sne.s32 s30, s28;
	s0 =	sadd.s32 @!p2 $0x30, s5  }
0x178: {  	s1 =	simm.s32 @!p2 $0x1;
	s2 =	simm.s32 @!p2 $0x80;
	s16 =	simm.s32 @!p2 $0x10  }
0x179: {  	[hbm:s0@s2], [sflag:s3] =	dma.strided @!p2 [hbm:s4@s16], $0x100, s1, $0x10   }
0x17a: {  	p2 =	por p1, p3  }
0x17b: {  	p3 =	por !p4, !p2  }
0x17c: {  	s30 =	simm.s32 @p3 $0x4  }
0x17d: {  	s0 =	sshll.u32 @p2 s30, $0xB;
	s1 =	sshll.u32 @p2 s30, $0x7  }
0x17e: {  	s0 =	sand.u32 @p2 $0x7FFFC000, s0;
	s1 =	sand.u32 @p2 $0x380, s1  }
0x17f: {  	s0 =	sor.u32 @p2 s1, s0  }
0x180: {  	s2 =	simm.s32 @p2 $0x1;
	s0 =	sshrl.u32 @p2 s0, $0x3  }
0x181: {  	s16 =	simm.s32 @p2 $0x80;
	s1 =	sadd.s32 @p2 $0x40, s5;
	s0 =	sadd.s32 @p2 s6, s0  }
0x182: {  	[hbm:s1@s16], [sflag:s3] =	dma.strided @p2 [hbm:s0@s16], $0x100, s2, $0x10   }
0x183: {  	p3 =	sne.s32 s9, s28;
	s0 =	sadd.s32 @!p2 $0x40, s5  }
0x184: {  	s1 =	simm.s32 @!p2 $0x1;
	s2 =	simm.s32 @!p2 $0x80;
	s16 =	simm.s32 @!p2 $0x10  }
0x185: {  	[hbm:s0@s2], [sflag:s3] =	dma.strided @!p2 [hbm:s4@s16], $0x100, s1, $0x10   }
0x186: {  	p2 =	por p1, p3  }
0x187: {  	p3 =	por !p4, !p2  }
0x188: {  	s9 =	simm.s32 @p3 $0x5  }
0x189: {  	s0 =	sshll.u32 @p2 s9, $0xB;
	s1 =	sshll.u32 @p2 s9, $0x7  }
0x18a: {  	s0 =	sand.u32 @p2 $0x7FFFC000, s0;
	s1 =	sand.u32 @p2 $0x380, s1  }
0x18b: {  	s0 =	sor.u32 @p2 s1, s0  }
0x18c: {  	s2 =	simm.s32 @p2 $0x1;
	s0 =	sshrl.u32 @p2 s0, $0x3  }
0x18d: {  	s9 =	simm.s32 @p2 $0x80;
	s1 =	sadd.s32 @p2 $0x50, s5;
	s0 =	sadd.s32 @p2 s6, s0  }
0x18e: {  	[hbm:s1@s9], [sflag:s3] =	dma.strided @p2 [hbm:s0@s9], $0x100, s2, $0x10   }
0x18f: {  	p3 =	sne.s32 s29, s28;
	s0 =	sadd.s32 @!p2 $0x50, s5  }
0x190: {  	s1 =	simm.s32 @!p2 $0x1;
	s2 =	simm.s32 @!p2 $0x80;
	s9 =	simm.s32 @!p2 $0x10  }
0x191: {  	[hbm:s0@s2], [sflag:s3] =	dma.strided @!p2 [hbm:s4@s9], $0x100, s1, $0x10   }
0x192: {  	p2 =	por p1, p3  }
0x193: {  	p3 =	por !p4, !p2  }
0x194: {  	s29 =	simm.s32 @p3 $0x6  }
0x195: {  	s0 =	sshll.u32 @p2 s29, $0xB;
	s1 =	sshll.u32 @p2 s29, $0x7  }
0x196: {  	s0 =	sand.u32 @p2 $0x7FFFC000, s0;
	s1 =	sand.u32 @p2 $0x380, s1  }
0x197: {  	s0 =	sor.u32 @p2 s1, s0  }
0x198: {  	s2 =	simm.s32 @p2 $0x1;
	s0 =	sshrl.u32 @p2 s0, $0x3  }
0x199: {  	s9 =	simm.s32 @p2 $0x80;
	s1 =	sadd.s32 @p2 $0x60, s5;
	s0 =	sadd.s32 @p2 s6, s0  }
0x19a: {  	[hbm:s1@s9], [sflag:s3] =	dma.strided @p2 [hbm:s0@s9], $0x100, s2, $0x10   }
0x19b: {  	p3 =	sne.s32 s20, s28;
	s0 =	sadd.s32 @!p2 $0x60, s5  }
0x19c: {  	s1 =	simm.s32 @!p2 $0x1;
	s2 =	simm.s32 @!p2 $0x80;
	s9 =	simm.s32 @!p2 $0x10  }
0x19d: {  	[hbm:s0@s2], [sflag:s3] =	dma.strided @!p2 [hbm:s4@s9], $0x100, s1, $0x10   }
0x19e: {  	p2 =	por p1, p3  }
0x19f: {  	p3 =	por !p4, !p2  }
0x1a0: {  	s20 =	simm.s32 @p3 $0x7  }
0x1a1: {  	s0 =	sshll.u32 @p2 s20, $0xB;
	s1 =	sshll.u32 @p2 s20, $0x7  }
0x1a2: {  	s0 =	sor.u32 @p2 s1, s0  }
0x1a3: {  	s0 =	sand.u32 @p2 $0x4380, s0  }
0x1a4: {  	s2 =	simm.s32 @p2 $0x1;
	s9 =	simm.s32 @p2 $0x80;
	s0 =	sshrl.u32 @p2 s0, $0x3  }
0x1a5: {  	p3 =	sne.s32 s15, s28;
	s1 =	sadd.s32 @p2 $0x70, s5;
	s0 =	sadd.s32 @p2 s6, s0  }
0x1a6: {  	[hbm:s1@s9], [sflag:s3] =	dma.strided @p2 [hbm:s0@s9], $0x100, s2, $0x10   }
0x1a7: {  	p1 =	por p1, p3;
	s0 =	sadd.s32 @!p2 $0x70, s5  }
0x1a8: {  	s1 =	simm.s32 @!p2 $0x1;
	s2 =	simm.s32 @!p2 $0x80;
	s9 =	simm.s32 @!p2 $0x10  }
0x1a9: {  	[hbm:s0@s2], [sflag:s3] =	dma.strided @!p2 [hbm:s4@s9], $0x100, s1, $0x10   }
0x1aa: {  	p2 =	por !p4, !p1  }
0x1ab: {  	s15 =	simm.s32 @p2 $0x8  }
0x1ac: {  	s0 =	sshll.u32 @p1 s15, $0x4  }
0x1ad: {  	s1 =	sshll.u32 @p1 s15, $0x8;
	s0 =	sand.u32 @p1 $0x70, s0  }
0x1ae: {  	s2 =	simm.s32 @p1 $0x800;
	s1 =	sand.u32 @p1 $0x800, s1;
	s0 =	sadd.s32 @p1 s6, s0  }
0x1af: {  	s6 =	simm.s32 @p1 $0x80;
	s0 =	sadd.s32 @p1 s1, s0;
	s1 =	sadd.s32 @p1 $0x800, s5  }
0x1b0: {  	[hbm:s1@s2], [sflag:s3] =	dma.strided @p1 [hbm:s0@s6], $0x0, s6, $0x10   }
0x1b1: {  	s2 =	simm.s32 @p1 $0x1  }
0x1b2: {  	[hbm:s1@s6], [sflag:s3] =	dma.strided @p1 [hbm:s0@s6], $0x100, s2, $0x10   }
0x1b3: {  	[dreg:$0x0] =	wrdreg @!p1 $0x800  }
0x1b4: {  	s0 =	sld @!p1 [smem:$0x0]  }
0x1b5: {  	[dreg:$0x1] =	wrdreg @!p1 $0x800  }
0x1b6: {  	[dreg:$0x2] =	wrdreg @!p1 $0x10  }
0x1b7: {  	[dreg:$0x3] =	wrdreg @!p1 $0x10  }
0x1b8: {  	[dreg:$0x4] =	wrdreg @!p1 $0x80  }
0x1b9: {  	[dreg:$0x5] =	wrdreg @!p1 $0x8  }
0x1ba: {  	[dreg:$0x6] =	wrdreg @!p1 $0x100  }
0x1bb: {  	s1 =	sadd.s32 @!p1 $0x800, s5;
	[dreg:$0x7] =	wrdreg @!p1 $0x10  }
0x1bc: {  	s2 =	simm.s32 @!p1 $0x0;
	s0 =	sor.u32 @!p1 $0x4044000, s0;
	[dreg:$0x8] =	wrdreg @!p1 $0x1  }
0x1bd: {  	[hbm:s1], [sflag:s3] =	dma.general @!p1 [hbm:s4], [sflag:s2], length:$0x0, [dreg:$0x0], stride_count:$0x3, ici_dest:s0, dma_misc:DstOpCode:WRITE  }
0x1be: {  	s5 =	simm.s32 @!p1 $0x10;
	s0 =	simm.s32 @!p1 $0x1;
	s2 =	simm.s32 @!p1 $0x80  }
0x1bf: {  	[hbm:s1@s2], [sflag:s3] =	dma.strided @!p1 [hbm:s4@s5], $0x100, s0, $0x10   }
0x1c0: {  	s0 =	sld [smem:$0x3F93];
	_ =	sdelay $0x3  }
0x1c1: {  	p1 =	seq.s32 s0, $0x1  }
0x1c2: {  	s13 =	smov.u32 @p1 s18  }
0x1c3: {  	s11 =	smov.u32 @p4 s13  }
0x1c4: {  	[smem:$0x290] =	sst s11  }
0x1c5: {  	s0 =	sld [smem:$0x11];
	_ =	sdelay $0x1  }
0x1c6: {  	s1 =	smov.u32 s24  }
0x1c7: {  	s1 =	smov.u32 @p5 s23;
	s23 =	smov.u32 @p5 s24  }
0x1c8: {  	s0 =	smov.u32 @p4 s23  }
0x1c9: {  	[smem:$0x291] =	sst s0  }
0x1ca: {  	s0 =	sld [smem:$0x12];
	_ =	sdelay $0x3  }
0x1cb: {  	s0 =	smov.u32 @p4 s1  }
0x1cc: {  	[smem:$0x292] =	sst s0  }
0x1cd: {  	s0 =	sld [smem:$0x13];
	_ =	sdelay $0x1  }
0x1ce: {  	s1 =	smov.u32 s25  }
0x1cf: {  	s1 =	smov.u32 @p6 s19;
	s19 =	smov.u32 @p6 s25  }
0x1d0: {  	s0 =	smov.u32 @p4 s19  }
0x1d1: {  	[smem:$0x293] =	sst s0  }
0x1d2: {  	s0 =	sld [smem:$0x14];
	_ =	sdelay $0x3  }
0x1d3: {  	s0 =	smov.u32 @p4 s1  }
0x1d4: {  	[smem:$0x294] =	sst s0  }
0x1d5: {  	s0 =	sld [smem:$0x15];
	_ =	sdelay $0x1  }
0x1d6: {  	s1 =	smov.u32 s26  }
0x1d7: {  	s1 =	smov.u32 @p0 s17;
	s17 =	smov.u32 @p0 s26  }
0x1d8: {  	s0 =	smov.u32 @p4 s17  }
0x1d9: {  	[smem:$0x295] =	sst s0  }
0x1da: {  	s0 =	sld [smem:$0x16];
	_ =	sdelay $0x3  }
0x1db: {  	s19 =	sld [smem:$0x3F94];
	s0 =	smov.u32 @p4 s1  }
0x1dc: {  	[smem:$0x296] =	sst s0  }
0x1dd: {  	s0 =	sld [smem:$0x17];
	_ =	sdelay $0x1  }
0x1de: {  	p0 =	seq.s32 s19, $0x1  }
0x1df: {  	s14 =	smov.u32 @p0 s22  }
0x1e0: {  	s20 =	sld [smem:$0x3F92];
	s0 =	smov.u32 @p4 s14  }
0x1e1: {  	[smem:$0x297] =	sst s0  }
0x1e2: {  	s0 =	sld [smem:$0x18];
	_ =	sdelay $0x1  }
0x1e3: {  	s2 =	rddreg [dreg:$0xc];
	p0 =	seq.s32 s20, $0x1  }
0x1e4: {  	s10 =	smov.u32 @p0 s12;
	p0 =	sgt.s32 s2, $0x8;
	s1 =	smin.f32 s7, s8  }
0x1e5: {  	s22 =	rddreg [dreg:$0x9];
	s1 =	smov.u32 @p0 s23;
	s0 =	smov.u32 @p4 s10  }
0x1e6: {  	s7 =	smov.u32 @p4 s1;
	[smem:$0x298] =	sst s0  }
0x1e7: {  	[smem:$0x310] =	sst s7  }
0x1e8: {  	s21 =	simm.s32 $0x290;
	[smem:$0x390] =	sst s2  }
0x1e9: {  	[hbm:s22], [sflag:s3] =	dma.local [smem:s21], $0x10  }
0x1ea: {  	s23 =	simm.s32 $0x310;
	s1 =	rddreg [dreg:$0xa]  }
0x1eb: {  	[hbm:s1], [sflag:s3] =	dma.local [smem:s23], $0x10  }
0x1ec: {  	s24 =	simm.s32 $0x390;
	s25 =	simm.s32 $0x9;
	s1 =	rddreg [dreg:$0xb]  }
0x1ed: {  	[hbm:s1], [sflag:s3] =	dma.local [smem:s24], $0x10  }
0x1ee: {  	_ =	swait.ge [sflag:s25], $0x100  }
0x1ef: {  	[sflag:s25] =	ssyncset.done $0x0  }
0x1f0: {  	[sflag:s25] =	ssyncadd.s32 $0xFFFFFF00;
	_ =	sdelay $0x2  }
0x1f1: {  	_ =	swait.ge [sflag:s25], $0x100  }
0x1f2: {  	[sflag:s25] =	ssyncset.done $0x0  }
0x1f3: {  	[sflag:s25] =	ssyncadd.s32 $0xFFFFFF00;
	_ =	sdelay $0x2  }
0x1f4: {  	_ =	swait.ge [sflag:s25], $0x100  }
0x1f5: {  	[sflag:s25] =	ssyncset.done $0x0  }
0x1f6: {  	[sflag:s25] =	ssyncadd.s32 $0xFFFFFF00;
	_ =	sdelay $0x2  }
0x1f7: {  	_ =	swait.ge [sflag:s25], $0x100  }
0x1f8: {  	[sflag:s25] =	ssyncset.done $0x0  }
0x1f9: {  	[sflag:s25] =	ssyncadd.s32 $0xFFFFFF00;
	_ =	sdelay $0x2  }
0x1fa: {  	_ =	swait.ge [sflag:s25], $0x100  }
0x1fb: {  	[sflag:s25] =	ssyncset.done $0x0  }
0x1fc: {  	[sflag:s25] =	ssyncadd.s32 $0xFFFFFF00;
	_ =	sdelay $0x2  }
0x1fd: {  	_ =	swait.ge [sflag:s25], $0x100  }
0x1fe: {  	[sflag:s25] =	ssyncset.done $0x0  }
0x1ff: {  	[sflag:s25] =	ssyncadd.s32 $0xFFFFFF00;
	_ =	sdelay $0x2  }
0x200: {  	_ =	swait.ge [sflag:s25], $0x100  }
0x201: {  	[sflag:s25] =	ssyncset.done $0x0  }
0x202: {  	[sflag:s25] =	ssyncadd.s32 $0xFFFFFF00;
	_ =	sdelay $0x2  }
0x203: {  	_ =	swait.ge [sflag:s25], $0x100  }
0x204: {  	[sflag:s25] =	ssyncset.done $0x0  }
0x205: {  	[sflag:s25] =	ssyncadd.s32 $0xFFFFFF00;
	_ =	sdelay $0x2  }
0x206: {  	_ =	swait.ge [sflag:s25], $0x100  }
0x207: {  	[sflag:s25] =	ssyncset.done $0x0  }
0x208: {  	[sflag:s25] =	ssyncadd.s32 $0xFFFFFF00;
	_ =	sdelay $0x2  }
0x209: {  	_ =	swait.ge [sflag:s25], $0x10  }
0x20a: {  	[sflag:s25] =	ssyncset.done $0x0  }
0x20b: {  	[sflag:s25] =	ssyncadd.s32 $0xFFFFFFF0;
	_ =	sdelay $0x2  }
0x20c: {  	_ =	swait.ge [sflag:s25], $0x10  }
0x20d: {  	[sflag:s25] =	ssyncset.done $0x0  }
0x20e: {  	[sflag:s25] =	ssyncadd.s32 $0xFFFFFFF0;
	_ =	sdelay $0x2  }
0x20f: {  	_ =	swait.ge [sflag:s25], $0x10  }
0x210: {  	[sflag:s25] =	ssyncset.done $0x0  }
0x211: {  	[sflag:s25] =	ssyncadd.s32 $0xFFFFFFF0  }
0x212: {  	_ =	strace $0x90000046  }
0x213: {  	_ =	sfence  }
0x214: {  	s26 =	sld [smem:$0x0];
	_ =	sdelay $0x1  }
0x215: {  	s28 =	srdreg.scid  }
0x216: {  	s29 =	sshll.u32 s28, $0xD;
	s30 =	sshrl.u32 s28, $0x2  }
0x217: {  	s31 =	sand.u32 $0x1, s28;
	s1 =	sand.u32 $0x4000, s29;
	s0 =	sadd.s32 s30, s26  }
0x218: {  	s1 =	sor.u32 s1, s31;
	s0 =	sshll.u32 s0, $0x11  }
0x219: {  	s0 =	sor.u32 s0, s1  }
0x21a: {  	s0 =	sadd.s32 $0x8F2B, s0;
	(pc) =	sbr.abs _section_cstart, $3  }
0x21b: {  	[sflag:s0] =	ssyncadd.remote.s32 $0x1  }
0x21c: {  	_ =	strace $0x9FFFFFFF  }
0x21d: {  	(tm) =	ssettm $0x7FFFFFFF  }

</sc_bundles>
